<compile_context>
chip_gen: v7x
topology: tpu7x:2x2x1
jax: 0.10.2.dev20260603
libtpu: 0.0.44.dev20260713+nightly
codegen_flags: <defaults>
</compile_context>

<pallas_src>
import functools

import jax
import jax.numpy as jnp
from jax import lax
from jax.experimental import pallas as pl
from jax.experimental.pallas import tpu as pltpu
from jax.experimental.pallas import tpu_sc as plsc




def _argmin_body(z_ref, emb_ref, e2_ref, codes_ref, losssum_ref):
    z_blk = z_ref[...]
    cross = lax.dot_general(
        z_blk, emb_ref[...], (((1,), (1,)), ((), ())),
        preferred_element_type=jnp.float32)
    z2 = jnp.sum(z_blk * z_blk, axis=1, keepdims=True)
    dist = (z2 - 2.0 * cross) + e2_ref[...]
    mind = jnp.min(dist, axis=1, keepdims=True)
    k = dist.shape[1]
    idx_f = lax.broadcasted_iota(jnp.int32, dist.shape, 1).astype(jnp.float32)
    codes_f = jnp.min(jnp.where(dist == mind, idx_f, float(k)), axis=1,
                      keepdims=True)
    codes_ref[...] = codes_f.astype(jnp.int32)

    @pl.when(pl.program_id(0) == 0)
    def _():
        losssum_ref[0, 0] = 0.0

    losssum_ref[0, 0] += jnp.sum(mind)


def _argmin_codes(zf, emb, e2, block_t):
    n, d = zf.shape
    k = emb.shape[0]
    grid = n // block_t
    codes3, losssum = pl.pallas_call(
        _argmin_body,
        grid=(grid,),
        in_specs=[
            pl.BlockSpec((block_t, d), lambda i: (i, 0)),
            pl.BlockSpec((k, d), lambda i: (0, 0)),
            pl.BlockSpec((1, k), lambda i: (0, 0)),
        ],
        out_specs=[
            pl.BlockSpec((block_t, 1), lambda i: (i, 0)),
            pl.BlockSpec(memory_space=pltpu.SMEM, block_shape=(1, 1),
                         index_map=lambda i: (0, 0)),
        ],
        out_shape=[
            jax.ShapeDtypeStruct((n, 1), jnp.int32),
            jax.ShapeDtypeStruct((1, 1), jnp.float32),
        ],
    )(zf, emb, e2)
    return codes3.reshape(n), losssum[0, 0]




@functools.lru_cache(maxsize=None)
def _make_sc_gather(n, v, d, chunk):
    info = plsc.get_sparse_core_info()
    nw = info.num_cores * info.num_subcores
    nc = info.num_cores
    b_per_w = n // nw
    nchunk = b_per_w // chunk
    mesh = plsc.VectorSubcoreMesh(core_axis_name="c", subcore_axis_name="s")

    @functools.partial(
        pl.kernel,
        mesh=mesh,
        out_type=jax.ShapeDtypeStruct((n, d), jnp.float32),
        scratch_types=[
            pltpu.VMEM((chunk,), jnp.int32),
            pltpu.VMEM((chunk,), jnp.int32),
            pltpu.VMEM((chunk, d), jnp.float32),
            pltpu.VMEM((chunk, d), jnp.float32),
            pltpu.SemaphoreType.DMA,
            pltpu.SemaphoreType.DMA,
            pltpu.SemaphoreType.DMA,
            pltpu.SemaphoreType.DMA,
        ],
    )
    def gather(table_hbm, idx_hbm, out_hbm, idx0, idx1, buf0, buf1,
               gsem0, gsem1, wsem0, wsem1):
        wid = lax.axis_index("s") * nc + lax.axis_index("c")
        base = wid * b_per_w
        idxs = [idx0, idx1]
        bufs = [buf0, buf1]
        gsems = [gsem0, gsem1]
        wsems = [wsem0, wsem1]
        gs = [None, None]
        ws = [None, None]
        pltpu.sync_copy(idx_hbm.at[pl.ds(base, chunk)], idxs[0])
        gs[0] = pltpu.async_copy(table_hbm.at[idxs[0]], bufs[0], gsems[0])
        for c in range(nchunk):
            b = c & 1
            nb = 1 - b
            if c + 1 < nchunk:
                off1 = base + (c + 1) * chunk
                pltpu.sync_copy(idx_hbm.at[pl.ds(off1, chunk)], idxs[nb])
                if c >= 1:
                    ws[nb].wait()
                gs[nb] = pltpu.async_copy(
                    table_hbm.at[idxs[nb]], bufs[nb], gsems[nb])
            gs[b].wait()
            off = base + c * chunk
            ws[b] = pltpu.async_copy(
                bufs[b], out_hbm.at[pl.ds(off, chunk)], wsems[b])
        ws[(nchunk - 1) & 1].wait()
        if nchunk >= 2:
            ws[nchunk & 1].wait()

    return gather




def kernel(z, emb):
    b, t, d = z.shape
    k = emb.shape[0]
    n = b * t
    zf = z.reshape(n, d)
    e2 = jnp.sum(emb * emb, axis=-1)[None, :]
    codes, losssum = _argmin_codes(zf, emb, e2, block_t=1024)
    z_q = _make_sc_gather(n, k, d, chunk=128)(emb, codes)
    loss = (1.5 * losssum / (n * d)).astype(jnp.float32)
    return z_q.reshape(b, t, d), codes.reshape(b, t), loss

# --- scband reference (transcript-rebuilt; emitter-appended) ---
"""Pipeline reference for scband-vq-cvae2-25348896981469 (READ-ONLY COPY).

The authoritative reference and input builder live on the scoring server;
editing this copy changes nothing except your own understanding.
"""

import jax, jax.numpy as jnp
import numpy as np

VQ_COEF = 1.0
COMMIT_COEF = 0.5


def setup_inputs(seed: int = 0) -> dict:
    key = jax.random.key(seed)
    k1, k2 = jax.random.split(key)
    z = jax.random.normal(k1, (32, 1024, 256), dtype=jnp.float32)
    emb = jax.random.normal(k2, (512, 256), dtype=jnp.float32) * 0.1
    return {"z": z, "emb": emb}


def reference(z, emb):
    # Vector-quantization core of VQ_CVAE2: nearest-embedding lookup with
    # straight-through estimator and VQ / commitment losses.
    # z: [B, T, d] encoder output (latent tokens), emb: [K, d] codebook.
    z2 = jnp.sum(z * z, axis=-1, keepdims=True)          # [B, T, 1]
    e2 = jnp.sum(emb * emb, axis=-1)                     # [K]
    cross = jnp.einsum('btd,kd->btk', z, emb)            # [B, T, K]
    dist = z2 - 2.0 * cross + e2[None, None, :]          # squared L2 distances
    argmin = jnp.argmin(dist, axis=-1)                   # [B, T] int codes
    z_q = jnp.take(emb, argmin, axis=0)                  # [B, T, d] gathered codes
    # straight-through: forward value is z_q, gradient flows to z
    z_q_st = z + jax.lax.stop_gradient(z_q - z)
    vq_loss = jnp.mean((jax.lax.stop_gradient(z) - z_q) ** 2)
    commit_loss = jnp.mean((z - jax.lax.stop_gradient(z_q)) ** 2)
    loss = VQ_COEF * vq_loss + COMMIT_COEF * commit_loss
    return z_q_st, argmin, loss

if __name__ == "__main__":
    import jax
    _d = setup_inputs()
    print(jax.jit(kernel)(*tuple(_d.values())))

</pallas_src>

<mosaic_0001>
#map = affine_map<(d0, d1) -> (0, 0)>
#map1 = affine_map<(d0, d1) -> (0)>
module attributes {stable_mosaic.version = 14 : i64} {
  func.func @gather(%arg0: i32, %arg1: i32, %arg2: memref<512x256xf32, #tpu.memory_space<hbm>>, %arg3: memref<32768xi32, #tpu.memory_space<hbm>>, %arg4: memref<32768x256xf32, #tpu.memory_space<hbm>>, %arg5: memref<128xi32, #tpu.memory_space<vmem>>, %arg6: memref<128xi32, #tpu.memory_space<vmem>>, %arg7: memref<128x256xf32, #tpu.memory_space<vmem>>, %arg8: memref<128x256xf32, #tpu.memory_space<vmem>>, %arg9: memref<!tpu.dma_semaphore, #tpu.memory_space<semaphore_mem>>, %arg10: memref<!tpu.dma_semaphore, #tpu.memory_space<semaphore_mem>>, %arg11: memref<!tpu.dma_semaphore, #tpu.memory_space<semaphore_mem>>, %arg12: memref<!tpu.dma_semaphore, #tpu.memory_space<semaphore_mem>>) attributes {dimension_semantics = [#tpu.dimension_semantics<core_parallel>, #tpu.dimension_semantics<subcore_parallel>], iteration_bounds = array<i64: 2, 16>, scalar_prefetch = 0 : i64, scratch_operands = 8 : i64, tpu.core_type = #tpu.core_type<sc_vector_subcore>, window_params = [{transform_indices = #map}, {transform_indices = #map1}, {transform_indices = #map}]} {
    %mul3A = arith.constant 2 : i32
    %mul3A_0 = arith.muli %arg1, %mul3A : i32
    %add3A = arith.addi %mul3A_0, %arg0 : i32
    %mul3A_1 = arith.constant 1024 : i32
    %mul3A_2 = arith.muli %add3A, %mul3A_1 : i32
    "tpu.region"() ({
      %run_scoped3A = tpu.sem_alloc : memref<!tpu.dma_semaphore, #tpu.memory_space<semaphore_mem>>
      %dma_start3A_143 = tpu.memref_slice %arg3[%mul3A_2] : memref<32768xi32, #tpu.memory_space<hbm>> -> memref<128xi32, #tpu.memory_space<hbm>>
      %dma_start3A_144 = tpu.memref_slice %arg3[%mul3A_2] : memref<32768xi32, #tpu.memory_space<hbm>> -> memref<128xi32, #tpu.memory_space<hbm>>
      tpu.enqueue_dma source(%dma_start3A_144 : memref<128xi32, #tpu.memory_space<hbm>>) target(%arg5 : memref<128xi32, #tpu.memory_space<vmem>>) target_semaphore(%run_scoped3A : memref<!tpu.dma_semaphore, #tpu.memory_space<semaphore_mem>>)
      %dma_wait3A_145 = tpu.memref_slice %arg3[%mul3A_2] : memref<32768xi32, #tpu.memory_space<hbm>> -> memref<128xi32, #tpu.memory_space<hbm>>
      %dma_wait3A_146 = tpu.memref_slice %arg3[%mul3A_2] : memref<32768xi32, #tpu.memory_space<hbm>> -> memref<128xi32, #tpu.memory_space<hbm>>
      tpu.wait_dma2 semaphore(%run_scoped3A : memref<!tpu.dma_semaphore, #tpu.memory_space<semaphore_mem>>) src(%dma_wait3A_146 : memref<128xi32, #tpu.memory_space<hbm>>) dst(%arg5 : memref<128xi32, #tpu.memory_space<vmem>>)
      tpu.yield
    }) : () -> ()
    %dma_start3A = arith.constant 0 : i32
    %dma_start3A_3 = arith.constant 0 : i32
    %dma_start3A_4 = tpu.memref_slice %arg2[%dma_start3A, %dma_start3A_3] : memref<512x256xf32, #tpu.memory_space<hbm>> -> memref<512x256xf32, #tpu.memory_space<hbm>>
    tpu.enqueue_indirect_dma source(%dma_start3A_4 : memref<512x256xf32, #tpu.memory_space<hbm>>) target(%arg7 : memref<128x256xf32, #tpu.memory_space<vmem>>) offsets(%arg5 : memref<128xi32, #tpu.memory_space<vmem>>) semaphore(%arg9 : memref<!tpu.dma_semaphore, #tpu.memory_space<semaphore_mem>>)
    %add3A_5 = arith.constant 128 : i32
    %add3A_6 = arith.addi %mul3A_2, %add3A_5 : i32
    "tpu.region"() ({
      %run_scoped3A = tpu.sem_alloc : memref<!tpu.dma_semaphore, #tpu.memory_space<semaphore_mem>>
      %dma_start3A_143 = tpu.memref_slice %arg3[%add3A_6] : memref<32768xi32, #tpu.memory_space<hbm>> -> memref<128xi32, #tpu.memory_space<hbm>>
      %dma_start3A_144 = tpu.memref_slice %arg3[%add3A_6] : memref<32768xi32, #tpu.memory_space<hbm>> -> memref<128xi32, #tpu.memory_space<hbm>>
      tpu.enqueue_dma source(%dma_start3A_144 : memref<128xi32, #tpu.memory_space<hbm>>) target(%arg6 : memref<128xi32, #tpu.memory_space<vmem>>) target_semaphore(%run_scoped3A : memref<!tpu.dma_semaphore, #tpu.memory_space<semaphore_mem>>)
      %dma_wait3A_145 = tpu.memref_slice %arg3[%add3A_6] : memref<32768xi32, #tpu.memory_space<hbm>> -> memref<128xi32, #tpu.memory_space<hbm>>
      %dma_wait3A_146 = tpu.memref_slice %arg3[%add3A_6] : memref<32768xi32, #tpu.memory_space<hbm>> -> memref<128xi32, #tpu.memory_space<hbm>>
      tpu.wait_dma2 semaphore(%run_scoped3A : memref<!tpu.dma_semaphore, #tpu.memory_space<semaphore_mem>>) src(%dma_wait3A_146 : memref<128xi32, #tpu.memory_space<hbm>>) dst(%arg6 : memref<128xi32, #tpu.memory_space<vmem>>)
      tpu.yield
    }) : () -> ()
    %dma_start3A_7 = arith.constant 0 : i32
    %dma_start3A_8 = arith.constant 0 : i32
    %dma_start3A_9 = tpu.memref_slice %arg2[%dma_start3A_7, %dma_start3A_8] : memref<512x256xf32, #tpu.memory_space<hbm>> -> memref<512x256xf32, #tpu.memory_space<hbm>>
    tpu.enqueue_indirect_dma source(%dma_start3A_9 : memref<512x256xf32, #tpu.memory_space<hbm>>) target(%arg8 : memref<128x256xf32, #tpu.memory_space<vmem>>) offsets(%arg6 : memref<128xi32, #tpu.memory_space<vmem>>) semaphore(%arg10 : memref<!tpu.dma_semaphore, #tpu.memory_space<semaphore_mem>>)
    %dma_wait3A = arith.constant 0 : i32
    %dma_wait3A_10 = arith.constant 0 : i32
    %dma_wait3A_11 = tpu.memref_slice %arg2[%dma_wait3A, %dma_wait3A_10] : memref<512x256xf32, #tpu.memory_space<hbm>> -> memref<512x256xf32, #tpu.memory_space<hbm>>
    tpu.wait_indirect_dma semaphore(%arg9 : memref<!tpu.dma_semaphore, #tpu.memory_space<semaphore_mem>>) src(%dma_wait3A_11 : memref<512x256xf32, #tpu.memory_space<hbm>>) dst(%arg7 : memref<128x256xf32, #tpu.memory_space<vmem>>)
    %add3A_12 = arith.constant 0 : i32
    %add3A_13 = arith.addi %mul3A_2, %add3A_12 : i32
    %dma_start3A_14 = arith.constant 0 : i32
    %dma_start3A_15 = tpu.memref_slice %arg4[%add3A_13, %dma_start3A_14] : memref<32768x256xf32, #tpu.memory_space<hbm>> -> memref<128x256xf32, #tpu.memory_space<hbm>>
    %dma_start3A_16 = arith.constant 0 : i32
    %dma_start3A_17 = tpu.memref_slice %arg4[%add3A_13, %dma_start3A_16] : memref<32768x256xf32, #tpu.memory_space<hbm>> -> memref<128x256xf32, #tpu.memory_space<hbm>>
    tpu.enqueue_dma source(%arg7 : memref<128x256xf32, #tpu.memory_space<vmem>>) target(%dma_start3A_17 : memref<128x256xf32, #tpu.memory_space<hbm>>) target_semaphore(%arg11 : memref<!tpu.dma_semaphore, #tpu.memory_space<semaphore_mem>>)
    %add3A_18 = arith.constant 256 : i32
    %add3A_19 = arith.addi %mul3A_2, %add3A_18 : i32
    "tpu.region"() ({
      %run_scoped3A = tpu.sem_alloc : memref<!tpu.dma_semaphore, #tpu.memory_space<semaphore_mem>>
      %dma_start3A_143 = tpu.memref_slice %arg3[%add3A_19] : memref<32768xi32, #tpu.memory_space<hbm>> -> memref<128xi32, #tpu.memory_space<hbm>>
      %dma_start3A_144 = tpu.memref_slice %arg3[%add3A_19] : memref<32768xi32, #tpu.memory_space<hbm>> -> memref<128xi32, #tpu.memory_space<hbm>>
      tpu.enqueue_dma source(%dma_start3A_144 : memref<128xi32, #tpu.memory_space<hbm>>) target(%arg5 : memref<128xi32, #tpu.memory_space<vmem>>) target_semaphore(%run_scoped3A : memref<!tpu.dma_semaphore, #tpu.memory_space<semaphore_mem>>)
      %dma_wait3A_145 = tpu.memref_slice %arg3[%add3A_19] : memref<32768xi32, #tpu.memory_space<hbm>> -> memref<128xi32, #tpu.memory_space<hbm>>
      %dma_wait3A_146 = tpu.memref_slice %arg3[%add3A_19] : memref<32768xi32, #tpu.memory_space<hbm>> -> memref<128xi32, #tpu.memory_space<hbm>>
      tpu.wait_dma2 semaphore(%run_scoped3A : memref<!tpu.dma_semaphore, #tpu.memory_space<semaphore_mem>>) src(%dma_wait3A_146 : memref<128xi32, #tpu.memory_space<hbm>>) dst(%arg5 : memref<128xi32, #tpu.memory_space<vmem>>)
      tpu.yield
    }) : () -> ()
    %dma_wait3A_20 = arith.constant 0 : i32
    %dma_wait3A_21 = tpu.memref_slice %arg4[%add3A_13, %dma_wait3A_20] : memref<32768x256xf32, #tpu.memory_space<hbm>> -> memref<128x256xf32, #tpu.memory_space<hbm>>
    %dma_wait3A_22 = arith.constant 0 : i32
    %dma_wait3A_23 = tpu.memref_slice %arg4[%add3A_13, %dma_wait3A_22] : memref<32768x256xf32, #tpu.memory_space<hbm>> -> memref<128x256xf32, #tpu.memory_space<hbm>>
    tpu.wait_dma2 semaphore(%arg11 : memref<!tpu.dma_semaphore, #tpu.memory_space<semaphore_mem>>) src(%arg7 : memref<128x256xf32, #tpu.memory_space<vmem>>) dst(%dma_wait3A_23 : memref<128x256xf32, #tpu.memory_space<hbm>>)
    %dma_start3A_24 = arith.constant 0 : i32
    %dma_start3A_25 = arith.constant 0 : i32
    %dma_start3A_26 = tpu.memref_slice %arg2[%dma_start3A_24, %dma_start3A_25] : memref<512x256xf32, #tpu.memory_space<hbm>> -> memref<512x256xf32, #tpu.memory_space<hbm>>
    tpu.enqueue_indirect_dma source(%dma_start3A_26 : memref<512x256xf32, #tpu.memory_space<hbm>>) target(%arg7 : memref<128x256xf32, #tpu.memory_space<vmem>>) offsets(%arg5 : memref<128xi32, #tpu.memory_space<vmem>>) semaphore(%arg9 : memref<!tpu.dma_semaphore, #tpu.memory_space<semaphore_mem>>)
    %dma_wait3A_27 = arith.constant 0 : i32
    %dma_wait3A_28 = arith.constant 0 : i32
    %dma_wait3A_29 = tpu.memref_slice %arg2[%dma_wait3A_27, %dma_wait3A_28] : memref<512x256xf32, #tpu.memory_space<hbm>> -> memref<512x256xf32, #tpu.memory_space<hbm>>
    tpu.wait_indirect_dma semaphore(%arg10 : memref<!tpu.dma_semaphore, #tpu.memory_space<semaphore_mem>>) src(%dma_wait3A_29 : memref<512x256xf32, #tpu.memory_space<hbm>>) dst(%arg8 : memref<128x256xf32, #tpu.memory_space<vmem>>)
    %add3A_30 = arith.constant 128 : i32
    %add3A_31 = arith.addi %mul3A_2, %add3A_30 : i32
    %dma_start3A_32 = arith.constant 0 : i32
    %dma_start3A_33 = tpu.memref_slice %arg4[%add3A_31, %dma_start3A_32] : memref<32768x256xf32, #tpu.memory_space<hbm>> -> memref<128x256xf32, #tpu.memory_space<hbm>>
    %dma_start3A_34 = arith.constant 0 : i32
    %dma_start3A_35 = tpu.memref_slice %arg4[%add3A_31, %dma_start3A_34] : memref<32768x256xf32, #tpu.memory_space<hbm>> -> memref<128x256xf32, #tpu.memory_space<hbm>>
    tpu.enqueue_dma source(%arg8 : memref<128x256xf32, #tpu.memory_space<vmem>>) target(%dma_start3A_35 : memref<128x256xf32, #tpu.memory_space<hbm>>) target_semaphore(%arg12 : memref<!tpu.dma_semaphore, #tpu.memory_space<semaphore_mem>>)
    %add3A_36 = arith.constant 384 : i32
    %add3A_37 = arith.addi %mul3A_2, %add3A_36 : i32
    "tpu.region"() ({
      %run_scoped3A = tpu.sem_alloc : memref<!tpu.dma_semaphore, #tpu.memory_space<semaphore_mem>>
      %dma_start3A_143 = tpu.memref_slice %arg3[%add3A_37] : memref<32768xi32, #tpu.memory_space<hbm>> -> memref<128xi32, #tpu.memory_space<hbm>>
      %dma_start3A_144 = tpu.memref_slice %arg3[%add3A_37] : memref<32768xi32, #tpu.memory_space<hbm>> -> memref<128xi32, #tpu.memory_space<hbm>>
      tpu.enqueue_dma source(%dma_start3A_144 : memref<128xi32, #tpu.memory_space<hbm>>) target(%arg6 : memref<128xi32, #tpu.memory_space<vmem>>) target_semaphore(%run_scoped3A : memref<!tpu.dma_semaphore, #tpu.memory_space<semaphore_mem>>)
      %dma_wait3A_145 = tpu.memref_slice %arg3[%add3A_37] : memref<32768xi32, #tpu.memory_space<hbm>> -> memref<128xi32, #tpu.memory_space<hbm>>
      %dma_wait3A_146 = tpu.memref_slice %arg3[%add3A_37] : memref<32768xi32, #tpu.memory_space<hbm>> -> memref<128xi32, #tpu.memory_space<hbm>>
      tpu.wait_dma2 semaphore(%run_scoped3A : memref<!tpu.dma_semaphore, #tpu.memory_space<semaphore_mem>>) src(%dma_wait3A_146 : memref<128xi32, #tpu.memory_space<hbm>>) dst(%arg6 : memref<128xi32, #tpu.memory_space<vmem>>)
      tpu.yield
    }) : () -> ()
    %dma_wait3A_38 = arith.constant 0 : i32
    %dma_wait3A_39 = tpu.memref_slice %arg4[%add3A_31, %dma_wait3A_38] : memref<32768x256xf32, #tpu.memory_space<hbm>> -> memref<128x256xf32, #tpu.memory_space<hbm>>
    %dma_wait3A_40 = arith.constant 0 : i32
    %dma_wait3A_41 = tpu.memref_slice %arg4[%add3A_31, %dma_wait3A_40] : memref<32768x256xf32, #tpu.memory_space<hbm>> -> memref<128x256xf32, #tpu.memory_space<hbm>>
    tpu.wait_dma2 semaphore(%arg12 : memref<!tpu.dma_semaphore, #tpu.memory_space<semaphore_mem>>) src(%arg8 : memref<128x256xf32, #tpu.memory_space<vmem>>) dst(%dma_wait3A_41 : memref<128x256xf32, #tpu.memory_space<hbm>>)
    %dma_start3A_42 = arith.constant 0 : i32
    %dma_start3A_43 = arith.constant 0 : i32
    %dma_start3A_44 = tpu.memref_slice %arg2[%dma_start3A_42, %dma_start3A_43] : memref<512x256xf32, #tpu.memory_space<hbm>> -> memref<512x256xf32, #tpu.memory_space<hbm>>
    tpu.enqueue_indirect_dma source(%dma_start3A_44 : memref<512x256xf32, #tpu.memory_space<hbm>>) target(%arg8 : memref<128x256xf32, #tpu.memory_space<vmem>>) offsets(%arg6 : memref<128xi32, #tpu.memory_space<vmem>>) semaphore(%arg10 : memref<!tpu.dma_semaphore, #tpu.memory_space<semaphore_mem>>)
    %dma_wait3A_45 = arith.constant 0 : i32
    %dma_wait3A_46 = arith.constant 0 : i32
    %dma_wait3A_47 = tpu.memref_slice %arg2[%dma_wait3A_45, %dma_wait3A_46] : memref<512x256xf32, #tpu.memory_space<hbm>> -> memref<512x256xf32, #tpu.memory_space<hbm>>
    tpu.wait_indirect_dma semaphore(%arg9 : memref<!tpu.dma_semaphore, #tpu.memory_space<semaphore_mem>>) src(%dma_wait3A_47 : memref<512x256xf32, #tpu.memory_space<hbm>>) dst(%arg7 : memref<128x256xf32, #tpu.memory_space<vmem>>)
    %add3A_48 = arith.constant 256 : i32
    %add3A_49 = arith.addi %mul3A_2, %add3A_48 : i32
    %dma_start3A_50 = arith.constant 0 : i32
    %dma_start3A_51 = tpu.memref_slice %arg4[%add3A_49, %dma_start3A_50] : memref<32768x256xf32, #tpu.memory_space<hbm>> -> memref<128x256xf32, #tpu.memory_space<hbm>>
    %dma_start3A_52 = arith.constant 0 : i32
    %dma_start3A_53 = tpu.memref_slice %arg4[%add3A_49, %dma_start3A_52] : memref<32768x256xf32, #tpu.memory_space<hbm>> -> memref<128x256xf32, #tpu.memory_space<hbm>>
    tpu.enqueue_dma source(%arg7 : memref<128x256xf32, #tpu.memory_space<vmem>>) target(%dma_start3A_53 : memref<128x256xf32, #tpu.memory_space<hbm>>) target_semaphore(%arg11 : memref<!tpu.dma_semaphore, #tpu.memory_space<semaphore_mem>>)
    %add3A_54 = arith.constant 512 : i32
    %add3A_55 = arith.addi %mul3A_2, %add3A_54 : i32
    "tpu.region"() ({
      %run_scoped3A = tpu.sem_alloc : memref<!tpu.dma_semaphore, #tpu.memory_space<semaphore_mem>>
      %dma_start3A_143 = tpu.memref_slice %arg3[%add3A_55] : memref<32768xi32, #tpu.memory_space<hbm>> -> memref<128xi32, #tpu.memory_space<hbm>>
      %dma_start3A_144 = tpu.memref_slice %arg3[%add3A_55] : memref<32768xi32, #tpu.memory_space<hbm>> -> memref<128xi32, #tpu.memory_space<hbm>>
      tpu.enqueue_dma source(%dma_start3A_144 : memref<128xi32, #tpu.memory_space<hbm>>) target(%arg5 : memref<128xi32, #tpu.memory_space<vmem>>) target_semaphore(%run_scoped3A : memref<!tpu.dma_semaphore, #tpu.memory_space<semaphore_mem>>)
      %dma_wait3A_145 = tpu.memref_slice %arg3[%add3A_55] : memref<32768xi32, #tpu.memory_space<hbm>> -> memref<128xi32, #tpu.memory_space<hbm>>
      %dma_wait3A_146 = tpu.memref_slice %arg3[%add3A_55] : memref<32768xi32, #tpu.memory_space<hbm>> -> memref<128xi32, #tpu.memory_space<hbm>>
      tpu.wait_dma2 semaphore(%run_scoped3A : memref<!tpu.dma_semaphore, #tpu.memory_space<semaphore_mem>>) src(%dma_wait3A_146 : memref<128xi32, #tpu.memory_space<hbm>>) dst(%arg5 : memref<128xi32, #tpu.memory_space<vmem>>)
      tpu.yield
    }) : () -> ()
    %dma_wait3A_56 = arith.constant 0 : i32
    %dma_wait3A_57 = tpu.memref_slice %arg4[%add3A_49, %dma_wait3A_56] : memref<32768x256xf32, #tpu.memory_space<hbm>> -> memref<128x256xf32, #tpu.memory_space<hbm>>
    %dma_wait3A_58 = arith.constant 0 : i32
    %dma_wait3A_59 = tpu.memref_slice %arg4[%add3A_49, %dma_wait3A_58] : memref<32768x256xf32, #tpu.memory_space<hbm>> -> memref<128x256xf32, #tpu.memory_space<hbm>>
    tpu.wait_dma2 semaphore(%arg11 : memref<!tpu.dma_semaphore, #tpu.memory_space<semaphore_mem>>) src(%arg7 : memref<128x256xf32, #tpu.memory_space<vmem>>) dst(%dma_wait3A_59 : memref<128x256xf32, #tpu.memory_space<hbm>>)
    %dma_start3A_60 = arith.constant 0 : i32
    %dma_start3A_61 = arith.constant 0 : i32
    %dma_start3A_62 = tpu.memref_slice %arg2[%dma_start3A_60, %dma_start3A_61] : memref<512x256xf32, #tpu.memory_space<hbm>> -> memref<512x256xf32, #tpu.memory_space<hbm>>
    tpu.enqueue_indirect_dma source(%dma_start3A_62 : memref<512x256xf32, #tpu.memory_space<hbm>>) target(%arg7 : memref<128x256xf32, #tpu.memory_space<vmem>>) offsets(%arg5 : memref<128xi32, #tpu.memory_space<vmem>>) semaphore(%arg9 : memref<!tpu.dma_semaphore, #tpu.memory_space<semaphore_mem>>)
    %dma_wait3A_63 = arith.constant 0 : i32
    %dma_wait3A_64 = arith.constant 0 : i32
    %dma_wait3A_65 = tpu.memref_slice %arg2[%dma_wait3A_63, %dma_wait3A_64] : memref<512x256xf32, #tpu.memory_space<hbm>> -> memref<512x256xf32, #tpu.memory_space<hbm>>
    tpu.wait_indirect_dma semaphore(%arg10 : memref<!tpu.dma_semaphore, #tpu.memory_space<semaphore_mem>>) src(%dma_wait3A_65 : memref<512x256xf32, #tpu.memory_space<hbm>>) dst(%arg8 : memref<128x256xf32, #tpu.memory_space<vmem>>)
    %add3A_66 = arith.constant 384 : i32
    %add3A_67 = arith.addi %mul3A_2, %add3A_66 : i32
    %dma_start3A_68 = arith.constant 0 : i32
    %dma_start3A_69 = tpu.memref_slice %arg4[%add3A_67, %dma_start3A_68] : memref<32768x256xf32, #tpu.memory_space<hbm>> -> memref<128x256xf32, #tpu.memory_space<hbm>>
    %dma_start3A_70 = arith.constant 0 : i32
    %dma_start3A_71 = tpu.memref_slice %arg4[%add3A_67, %dma_start3A_70] : memref<32768x256xf32, #tpu.memory_space<hbm>> -> memref<128x256xf32, #tpu.memory_space<hbm>>
    tpu.enqueue_dma source(%arg8 : memref<128x256xf32, #tpu.memory_space<vmem>>) target(%dma_start3A_71 : memref<128x256xf32, #tpu.memory_space<hbm>>) target_semaphore(%arg12 : memref<!tpu.dma_semaphore, #tpu.memory_space<semaphore_mem>>)
    %add3A_72 = arith.constant 640 : i32
    %add3A_73 = arith.addi %mul3A_2, %add3A_72 : i32
    "tpu.region"() ({
      %run_scoped3A = tpu.sem_alloc : memref<!tpu.dma_semaphore, #tpu.memory_space<semaphore_mem>>
      %dma_start3A_143 = tpu.memref_slice %arg3[%add3A_73] : memref<32768xi32, #tpu.memory_space<hbm>> -> memref<128xi32, #tpu.memory_space<hbm>>
      %dma_start3A_144 = tpu.memref_slice %arg3[%add3A_73] : memref<32768xi32, #tpu.memory_space<hbm>> -> memref<128xi32, #tpu.memory_space<hbm>>
      tpu.enqueue_dma source(%dma_start3A_144 : memref<128xi32, #tpu.memory_space<hbm>>) target(%arg6 : memref<128xi32, #tpu.memory_space<vmem>>) target_semaphore(%run_scoped3A : memref<!tpu.dma_semaphore, #tpu.memory_space<semaphore_mem>>)
      %dma_wait3A_145 = tpu.memref_slice %arg3[%add3A_73] : memref<32768xi32, #tpu.memory_space<hbm>> -> memref<128xi32, #tpu.memory_space<hbm>>
      %dma_wait3A_146 = tpu.memref_slice %arg3[%add3A_73] : memref<32768xi32, #tpu.memory_space<hbm>> -> memref<128xi32, #tpu.memory_space<hbm>>
      tpu.wait_dma2 semaphore(%run_scoped3A : memref<!tpu.dma_semaphore, #tpu.memory_space<semaphore_mem>>) src(%dma_wait3A_146 : memref<128xi32, #tpu.memory_space<hbm>>) dst(%arg6 : memref<128xi32, #tpu.memory_space<vmem>>)
      tpu.yield
    }) : () -> ()
    %dma_wait3A_74 = arith.constant 0 : i32
    %dma_wait3A_75 = tpu.memref_slice %arg4[%add3A_67, %dma_wait3A_74] : memref<32768x256xf32, #tpu.memory_space<hbm>> -> memref<128x256xf32, #tpu.memory_space<hbm>>
    %dma_wait3A_76 = arith.constant 0 : i32
    %dma_wait3A_77 = tpu.memref_slice %arg4[%add3A_67, %dma_wait3A_76] : memref<32768x256xf32, #tpu.memory_space<hbm>> -> memref<128x256xf32, #tpu.memory_space<hbm>>
    tpu.wait_dma2 semaphore(%arg12 : memref<!tpu.dma_semaphore, #tpu.memory_space<semaphore_mem>>) src(%arg8 : memref<128x256xf32, #tpu.memory_space<vmem>>) dst(%dma_wait3A_77 : memref<128x256xf32, #tpu.memory_space<hbm>>)
    %dma_start3A_78 = arith.constant 0 : i32
    %dma_start3A_79 = arith.constant 0 : i32
    %dma_start3A_80 = tpu.memref_slice %arg2[%dma_start3A_78, %dma_start3A_79] : memref<512x256xf32, #tpu.memory_space<hbm>> -> memref<512x256xf32, #tpu.memory_space<hbm>>
    tpu.enqueue_indirect_dma source(%dma_start3A_80 : memref<512x256xf32, #tpu.memory_space<hbm>>) target(%arg8 : memref<128x256xf32, #tpu.memory_space<vmem>>) offsets(%arg6 : memref<128xi32, #tpu.memory_space<vmem>>) semaphore(%arg10 : memref<!tpu.dma_semaphore, #tpu.memory_space<semaphore_mem>>)
    %dma_wait3A_81 = arith.constant 0 : i32
    %dma_wait3A_82 = arith.constant 0 : i32
    %dma_wait3A_83 = tpu.memref_slice %arg2[%dma_wait3A_81, %dma_wait3A_82] : memref<512x256xf32, #tpu.memory_space<hbm>> -> memref<512x256xf32, #tpu.memory_space<hbm>>
    tpu.wait_indirect_dma semaphore(%arg9 : memref<!tpu.dma_semaphore, #tpu.memory_space<semaphore_mem>>) src(%dma_wait3A_83 : memref<512x256xf32, #tpu.memory_space<hbm>>) dst(%arg7 : memref<128x256xf32, #tpu.memory_space<vmem>>)
    %add3A_84 = arith.constant 512 : i32
    %add3A_85 = arith.addi %mul3A_2, %add3A_84 : i32
    %dma_start3A_86 = arith.constant 0 : i32
    %dma_start3A_87 = tpu.memref_slice %arg4[%add3A_85, %dma_start3A_86] : memref<32768x256xf32, #tpu.memory_space<hbm>> -> memref<128x256xf32, #tpu.memory_space<hbm>>
    %dma_start3A_88 = arith.constant 0 : i32
    %dma_start3A_89 = tpu.memref_slice %arg4[%add3A_85, %dma_start3A_88] : memref<32768x256xf32, #tpu.memory_space<hbm>> -> memref<128x256xf32, #tpu.memory_space<hbm>>
    tpu.enqueue_dma source(%arg7 : memref<128x256xf32, #tpu.memory_space<vmem>>) target(%dma_start3A_89 : memref<128x256xf32, #tpu.memory_space<hbm>>) target_semaphore(%arg11 : memref<!tpu.dma_semaphore, #tpu.memory_space<semaphore_mem>>)
    %add3A_90 = arith.constant 768 : i32
    %add3A_91 = arith.addi %mul3A_2, %add3A_90 : i32
    "tpu.region"() ({
      %run_scoped3A = tpu.sem_alloc : memref<!tpu.dma_semaphore, #tpu.memory_space<semaphore_mem>>
      %dma_start3A_143 = tpu.memref_slice %arg3[%add3A_91] : memref<32768xi32, #tpu.memory_space<hbm>> -> memref<128xi32, #tpu.memory_space<hbm>>
      %dma_start3A_144 = tpu.memref_slice %arg3[%add3A_91] : memref<32768xi32, #tpu.memory_space<hbm>> -> memref<128xi32, #tpu.memory_space<hbm>>
      tpu.enqueue_dma source(%dma_start3A_144 : memref<128xi32, #tpu.memory_space<hbm>>) target(%arg5 : memref<128xi32, #tpu.memory_space<vmem>>) target_semaphore(%run_scoped3A : memref<!tpu.dma_semaphore, #tpu.memory_space<semaphore_mem>>)
      %dma_wait3A_145 = tpu.memref_slice %arg3[%add3A_91] : memref<32768xi32, #tpu.memory_space<hbm>> -> memref<128xi32, #tpu.memory_space<hbm>>
      %dma_wait3A_146 = tpu.memref_slice %arg3[%add3A_91] : memref<32768xi32, #tpu.memory_space<hbm>> -> memref<128xi32, #tpu.memory_space<hbm>>
      tpu.wait_dma2 semaphore(%run_scoped3A : memref<!tpu.dma_semaphore, #tpu.memory_space<semaphore_mem>>) src(%dma_wait3A_146 : memref<128xi32, #tpu.memory_space<hbm>>) dst(%arg5 : memref<128xi32, #tpu.memory_space<vmem>>)
      tpu.yield
    }) : () -> ()
    %dma_wait3A_92 = arith.constant 0 : i32
    %dma_wait3A_93 = tpu.memref_slice %arg4[%add3A_85, %dma_wait3A_92] : memref<32768x256xf32, #tpu.memory_space<hbm>> -> memref<128x256xf32, #tpu.memory_space<hbm>>
    %dma_wait3A_94 = arith.constant 0 : i32
    %dma_wait3A_95 = tpu.memref_slice %arg4[%add3A_85, %dma_wait3A_94] : memref<32768x256xf32, #tpu.memory_space<hbm>> -> memref<128x256xf32, #tpu.memory_space<hbm>>
    tpu.wait_dma2 semaphore(%arg11 : memref<!tpu.dma_semaphore, #tpu.memory_space<semaphore_mem>>) src(%arg7 : memref<128x256xf32, #tpu.memory_space<vmem>>) dst(%dma_wait3A_95 : memref<128x256xf32, #tpu.memory_space<hbm>>)
    %dma_start3A_96 = arith.constant 0 : i32
    %dma_start3A_97 = arith.constant 0 : i32
    %dma_start3A_98 = tpu.memref_slice %arg2[%dma_start3A_96, %dma_start3A_97] : memref<512x256xf32, #tpu.memory_space<hbm>> -> memref<512x256xf32, #tpu.memory_space<hbm>>
    tpu.enqueue_indirect_dma source(%dma_start3A_98 : memref<512x256xf32, #tpu.memory_space<hbm>>) target(%arg7 : memref<128x256xf32, #tpu.memory_space<vmem>>) offsets(%arg5 : memref<128xi32, #tpu.memory_space<vmem>>) semaphore(%arg9 : memref<!tpu.dma_semaphore, #tpu.memory_space<semaphore_mem>>)
    %dma_wait3A_99 = arith.constant 0 : i32
    %dma_wait3A_100 = arith.constant 0 : i32
    %dma_wait3A_101 = tpu.memref_slice %arg2[%dma_wait3A_99, %dma_wait3A_100] : memref<512x256xf32, #tpu.memory_space<hbm>> -> memref<512x256xf32, #tpu.memory_space<hbm>>
    tpu.wait_indirect_dma semaphore(%arg10 : memref<!tpu.dma_semaphore, #tpu.memory_space<semaphore_mem>>) src(%dma_wait3A_101 : memref<512x256xf32, #tpu.memory_space<hbm>>) dst(%arg8 : memref<128x256xf32, #tpu.memory_space<vmem>>)
    %add3A_102 = arith.constant 640 : i32
    %add3A_103 = arith.addi %mul3A_2, %add3A_102 : i32
    %dma_start3A_104 = arith.constant 0 : i32
    %dma_start3A_105 = tpu.memref_slice %arg4[%add3A_103, %dma_start3A_104] : memref<32768x256xf32, #tpu.memory_space<hbm>> -> memref<128x256xf32, #tpu.memory_space<hbm>>
    %dma_start3A_106 = arith.constant 0 : i32
    %dma_start3A_107 = tpu.memref_slice %arg4[%add3A_103, %dma_start3A_106] : memref<32768x256xf32, #tpu.memory_space<hbm>> -> memref<128x256xf32, #tpu.memory_space<hbm>>
    tpu.enqueue_dma source(%arg8 : memref<128x256xf32, #tpu.memory_space<vmem>>) target(%dma_start3A_107 : memref<128x256xf32, #tpu.memory_space<hbm>>) target_semaphore(%arg12 : memref<!tpu.dma_semaphore, #tpu.memory_space<semaphore_mem>>)
    %add3A_108 = arith.constant 896 : i32
    %add3A_109 = arith.addi %mul3A_2, %add3A_108 : i32
    "tpu.region"() ({
      %run_scoped3A = tpu.sem_alloc : memref<!tpu.dma_semaphore, #tpu.memory_space<semaphore_mem>>
      %dma_start3A_143 = tpu.memref_slice %arg3[%add3A_109] : memref<32768xi32, #tpu.memory_space<hbm>> -> memref<128xi32, #tpu.memory_space<hbm>>
      %dma_start3A_144 = tpu.memref_slice %arg3[%add3A_109] : memref<32768xi32, #tpu.memory_space<hbm>> -> memref<128xi32, #tpu.memory_space<hbm>>
      tpu.enqueue_dma source(%dma_start3A_144 : memref<128xi32, #tpu.memory_space<hbm>>) target(%arg6 : memref<128xi32, #tpu.memory_space<vmem>>) target_semaphore(%run_scoped3A : memref<!tpu.dma_semaphore, #tpu.memory_space<semaphore_mem>>)
      %dma_wait3A_145 = tpu.memref_slice %arg3[%add3A_109] : memref<32768xi32, #tpu.memory_space<hbm>> -> memref<128xi32, #tpu.memory_space<hbm>>
      %dma_wait3A_146 = tpu.memref_slice %arg3[%add3A_109] : memref<32768xi32, #tpu.memory_space<hbm>> -> memref<128xi32, #tpu.memory_space<hbm>>
      tpu.wait_dma2 semaphore(%run_scoped3A : memref<!tpu.dma_semaphore, #tpu.memory_space<semaphore_mem>>) src(%dma_wait3A_146 : memref<128xi32, #tpu.memory_space<hbm>>) dst(%arg6 : memref<128xi32, #tpu.memory_space<vmem>>)
      tpu.yield
    }) : () -> ()
    %dma_wait3A_110 = arith.constant 0 : i32
    %dma_wait3A_111 = tpu.memref_slice %arg4[%add3A_103, %dma_wait3A_110] : memref<32768x256xf32, #tpu.memory_space<hbm>> -> memref<128x256xf32, #tpu.memory_space<hbm>>
    %dma_wait3A_112 = arith.constant 0 : i32
    %dma_wait3A_113 = tpu.memref_slice %arg4[%add3A_103, %dma_wait3A_112] : memref<32768x256xf32, #tpu.memory_space<hbm>> -> memref<128x256xf32, #tpu.memory_space<hbm>>
    tpu.wait_dma2 semaphore(%arg12 : memref<!tpu.dma_semaphore, #tpu.memory_space<semaphore_mem>>) src(%arg8 : memref<128x256xf32, #tpu.memory_space<vmem>>) dst(%dma_wait3A_113 : memref<128x256xf32, #tpu.memory_space<hbm>>)
    %dma_start3A_114 = arith.constant 0 : i32
    %dma_start3A_115 = arith.constant 0 : i32
    %dma_start3A_116 = tpu.memref_slice %arg2[%dma_start3A_114, %dma_start3A_115] : memref<512x256xf32, #tpu.memory_space<hbm>> -> memref<512x256xf32, #tpu.memory_space<hbm>>
    tpu.enqueue_indirect_dma source(%dma_start3A_116 : memref<512x256xf32, #tpu.memory_space<hbm>>) target(%arg8 : memref<128x256xf32, #tpu.memory_space<vmem>>) offsets(%arg6 : memref<128xi32, #tpu.memory_space<vmem>>) semaphore(%arg10 : memref<!tpu.dma_semaphore, #tpu.memory_space<semaphore_mem>>)
    %dma_wait3A_117 = arith.constant 0 : i32
    %dma_wait3A_118 = arith.constant 0 : i32
    %dma_wait3A_119 = tpu.memref_slice %arg2[%dma_wait3A_117, %dma_wait3A_118] : memref<512x256xf32, #tpu.memory_space<hbm>> -> memref<512x256xf32, #tpu.memory_space<hbm>>
    tpu.wait_indirect_dma semaphore(%arg9 : memref<!tpu.dma_semaphore, #tpu.memory_space<semaphore_mem>>) src(%dma_wait3A_119 : memref<512x256xf32, #tpu.memory_space<hbm>>) dst(%arg7 : memref<128x256xf32, #tpu.memory_space<vmem>>)
    %add3A_120 = arith.constant 768 : i32
    %add3A_121 = arith.addi %mul3A_2, %add3A_120 : i32
    %dma_start3A_122 = arith.constant 0 : i32
    %dma_start3A_123 = tpu.memref_slice %arg4[%add3A_121, %dma_start3A_122] : memref<32768x256xf32, #tpu.memory_space<hbm>> -> memref<128x256xf32, #tpu.memory_space<hbm>>
    %dma_start3A_124 = arith.constant 0 : i32
    %dma_start3A_125 = tpu.memref_slice %arg4[%add3A_121, %dma_start3A_124] : memref<32768x256xf32, #tpu.memory_space<hbm>> -> memref<128x256xf32, #tpu.memory_space<hbm>>
    tpu.enqueue_dma source(%arg7 : memref<128x256xf32, #tpu.memory_space<vmem>>) target(%dma_start3A_125 : memref<128x256xf32, #tpu.memory_space<hbm>>) target_semaphore(%arg11 : memref<!tpu.dma_semaphore, #tpu.memory_space<semaphore_mem>>)
    %dma_wait3A_126 = arith.constant 0 : i32
    %dma_wait3A_127 = arith.constant 0 : i32
    %dma_wait3A_128 = tpu.memref_slice %arg2[%dma_wait3A_126, %dma_wait3A_127] : memref<512x256xf32, #tpu.memory_space<hbm>> -> memref<512x256xf32, #tpu.memory_space<hbm>>
    tpu.wait_indirect_dma semaphore(%arg10 : memref<!tpu.dma_semaphore, #tpu.memory_space<semaphore_mem>>) src(%dma_wait3A_128 : memref<512x256xf32, #tpu.memory_space<hbm>>) dst(%arg8 : memref<128x256xf32, #tpu.memory_space<vmem>>)
    %add3A_129 = arith.constant 896 : i32
    %add3A_130 = arith.addi %mul3A_2, %add3A_129 : i32
    %dma_start3A_131 = arith.constant 0 : i32
    %dma_start3A_132 = tpu.memref_slice %arg4[%add3A_130, %dma_start3A_131] : memref<32768x256xf32, #tpu.memory_space<hbm>> -> memref<128x256xf32, #tpu.memory_space<hbm>>
    %dma_start3A_133 = arith.constant 0 : i32
    %dma_start3A_134 = tpu.memref_slice %arg4[%add3A_130, %dma_start3A_133] : memref<32768x256xf32, #tpu.memory_space<hbm>> -> memref<128x256xf32, #tpu.memory_space<hbm>>
    tpu.enqueue_dma source(%arg8 : memref<128x256xf32, #tpu.memory_space<vmem>>) target(%dma_start3A_134 : memref<128x256xf32, #tpu.memory_space<hbm>>) target_semaphore(%arg12 : memref<!tpu.dma_semaphore, #tpu.memory_space<semaphore_mem>>)
    %dma_wait3A_135 = arith.constant 0 : i32
    %dma_wait3A_136 = tpu.memref_slice %arg4[%add3A_130, %dma_wait3A_135] : memref<32768x256xf32, #tpu.memory_space<hbm>> -> memref<128x256xf32, #tpu.memory_space<hbm>>
    %dma_wait3A_137 = arith.constant 0 : i32
    %dma_wait3A_138 = tpu.memref_slice %arg4[%add3A_130, %dma_wait3A_137] : memref<32768x256xf32, #tpu.memory_space<hbm>> -> memref<128x256xf32, #tpu.memory_space<hbm>>
    tpu.wait_dma2 semaphore(%arg12 : memref<!tpu.dma_semaphore, #tpu.memory_space<semaphore_mem>>) src(%arg8 : memref<128x256xf32, #tpu.memory_space<vmem>>) dst(%dma_wait3A_138 : memref<128x256xf32, #tpu.memory_space<hbm>>)
    %dma_wait3A_139 = arith.constant 0 : i32
    %dma_wait3A_140 = tpu.memref_slice %arg4[%add3A_121, %dma_wait3A_139] : memref<32768x256xf32, #tpu.memory_space<hbm>> -> memref<128x256xf32, #tpu.memory_space<hbm>>
    %dma_wait3A_141 = arith.constant 0 : i32
    %dma_wait3A_142 = tpu.memref_slice %arg4[%add3A_121, %dma_wait3A_141] : memref<32768x256xf32, #tpu.memory_space<hbm>> -> memref<128x256xf32, #tpu.memory_space<hbm>>
    tpu.wait_dma2 semaphore(%arg11 : memref<!tpu.dma_semaphore, #tpu.memory_space<semaphore_mem>>) src(%arg7 : memref<128x256xf32, #tpu.memory_space<vmem>>) dst(%dma_wait3A_142 : memref<128x256xf32, #tpu.memory_space<hbm>>)
    return
  }
}

module attributes {stable_mosaic.version = 14 : i64} {
  func.func @_argmin_body(%arg0: i32, %arg1: memref<1024x256xf32, #tpu.memory_space<vmem>>, %arg2: memref<512x256xf32, #tpu.memory_space<vmem>>, %arg3: memref<1x512xf32, #tpu.memory_space<vmem>>, %arg4: memref<1024x1xi32, #tpu.memory_space<vmem>>, %arg5: memref<1x1xf32, #tpu.memory_space<smem>>) attributes {dimension_semantics = [#tpu.dimension_semantics<arbitrary>], iteration_bounds = array<i64: 32>, scalar_prefetch = 0 : i64, scratch_operands = 0 : i64, tpu.core_type = #tpu.core_type<tc>, window_params = [{transform_indices = @transform_0, window_bounds = array<i64: 1024, 256>}, {pipeline_mode = #tpu.pipeline_mode<synchronous>, transform_indices = @transform_1, window_bounds = array<i64: 512, 256>}, {pipeline_mode = #tpu.pipeline_mode<synchronous>, transform_indices = @transform_2, window_bounds = array<i64: 1, 512>}, {transform_indices = @transform_3, window_bounds = array<i64: 1024, 1>}, {transform_indices = @transform_4, window_bounds = array<i64: 1, 1>}]} {
    %get3A = arith.constant 0 : index
    %get3A_0 = arith.constant 0 : index
    %get3A_1 = vector.load %arg1[%get3A, %get3A_0] : memref<1024x256xf32, #tpu.memory_space<vmem>>, vector<1024x256xf32>
    %get3A_2 = arith.constant 0 : index
    %get3A_3 = arith.constant 0 : index
    %get3A_4 = vector.load %arg2[%get3A_2, %get3A_3] : memref<512x256xf32, #tpu.memory_space<vmem>>, vector<512x256xf32>
    %dot_general3A = arith.constant dense<0.000000e+00> : vector<1024x512xf32>
    %dot_general3A_5 = tpu.matmul %get3A_1, %get3A_4, %dot_general3A {dimension_numbers = #tpu.dot_dimension_numbers<[1], [1], [0], [0], [0, 0, 1, 0], [], []>, transpose_lhs_hint = false} : vector<1024x256xf32>, vector<512x256xf32>, vector<1024x512xf32> -> vector<1024x512xf32>
    %mul3A = arith.mulf %get3A_1, %get3A_1 : vector<1024x256xf32>
    %reduce_sum3A = arith.constant dense<0.000000e+00> : vector<1024xf32>
    %reduce_sum3A_6 = vector.multi_reduction <add>, %mul3A, %reduce_sum3A [1] : vector<1024x256xf32> to vector<1024xf32>
    %broadcast_in_dim3A = vector.shape_cast %reduce_sum3A_6 : vector<1024xf32> to vector<1024x1xf32>
    %mul3A_7 = arith.constant 2.000000e+00 : f32
    %mul3A_8 = vector.broadcast %mul3A_7 : f32 to vector<1024x512xf32>
    %mul3A_9 = arith.mulf %mul3A_8, %dot_general3A_5 : vector<1024x512xf32>
    %sub3A = vector.broadcast %broadcast_in_dim3A : vector<1024x1xf32> to vector<1024x512xf32>
    %sub3A_10 = arith.subf %sub3A, %mul3A_9 : vector<1024x512xf32>
    %get3A_11 = arith.constant 0 : index
    %get3A_12 = arith.constant 0 : index
    %get3A_13 = vector.load %arg3[%get3A_11, %get3A_12] : memref<1x512xf32, #tpu.memory_space<vmem>>, vector<1x512xf32>
    %add3A = vector.broadcast %get3A_13 : vector<1x512xf32> to vector<1024x512xf32>
    %add3A_14 = arith.addf %sub3A_10, %add3A : vector<1024x512xf32>
    %reduce_min3A = arith.constant dense<0x7F800000> : vector<1024xf32>
    %reduce_min3A_15 = vector.multi_reduction <minimumf>, %add3A_14, %reduce_min3A [1] : vector<1024x512xf32> to vector<1024xf32>
    %broadcast_in_dim3A_16 = vector.shape_cast %reduce_min3A_15 : vector<1024xf32> to vector<1024x1xf32>
    %iota3A = tpu.iota {dimensions = array<i32: 1>} : vector<1024x512xi32>
    %convert_element_type3A = arith.sitofp %iota3A : vector<1024x512xi32> to vector<1024x512xf32>
    %eq3A = vector.broadcast %broadcast_in_dim3A_16 : vector<1024x1xf32> to vector<1024x512xf32>
    %eq3A_17 = arith.cmpf oeq, %add3A_14, %eq3A : vector<1024x512xf32>
    %jit3A = arith.constant 5.120000e+02 : f32
    %broadcast_in_dim3A_18 = vector.broadcast %jit3A : f32 to vector<1024x512xf32>
    %select_n3A = arith.select %eq3A_17, %convert_element_type3A, %broadcast_in_dim3A_18 : vector<1024x512xi1>, vector<1024x512xf32>
    %reduce_min3A_19 = arith.constant dense<0x7F800000> : vector<1024xf32>
    %reduce_min3A_20 = vector.multi_reduction <minimumf>, %select_n3A, %reduce_min3A_19 [1] : vector<1024x512xf32> to vector<1024xf32>
    %broadcast_in_dim3A_21 = vector.shape_cast %reduce_min3A_20 : vector<1024xf32> to vector<1024x1xf32>
    %convert_element_type3A_22 = arith.fptosi %broadcast_in_dim3A_21 : vector<1024x1xf32> to vector<1024x1xi32>
    %swap3A = arith.constant 0 : index
    %swap3A_23 = arith.constant 0 : index
    %swap3A_24 = vector.load %arg4[%swap3A, %swap3A_23] : memref<1024x1xi32, #tpu.memory_space<vmem>>, vector<1024x1xi32>
    tpu.vector_store %arg4[%swap3A, %swap3A_23], %convert_element_type3A_22 {strides = array<i32>} : memref<1024x1xi32, #tpu.memory_space<vmem>>, vector<1024x1xi32>,
    %eq3A_25 = arith.constant 0 : i32
    %eq3A_26 = arith.cmpi eq, %arg0, %eq3A_25 : i32
    %convert_element_type3A_27 = arith.extui %eq3A_26 : i1 to i32
    %cond3A = arith.constant 0 : i32
    %cond3A_28 = arith.cmpi ne, %convert_element_type3A_27, %cond3A : i32
    scf.if %cond3A_28 {
      %swap3A_41 = arith.constant 0.000000e+00 : f32
      %swap3A_42 = arith.constant 0 : index
      %swap3A_43 = arith.constant 0 : index
      %swap3A_44 = memref.load %arg5[%swap3A_42, %swap3A_43] : memref<1x1xf32, #tpu.memory_space<smem>>
      memref.store %swap3A_41, %arg5[%swap3A_42, %swap3A_43] : memref<1x1xf32, #tpu.memory_space<smem>>
    } else {
    }
    %get3A_29 = arith.constant 0 : index
    %get3A_30 = arith.constant 0 : index
    %get3A_31 = memref.load %arg5[%get3A_29, %get3A_30] : memref<1x1xf32, #tpu.memory_space<smem>>
    %reduce_sum3A_32 = vector.shape_cast %broadcast_in_dim3A_16 : vector<1024x1xf32> to vector<1x1024x1xf32>
    %reduce_sum3A_33 = arith.constant dense<0.000000e+00> : vector<1xf32>
    %reduce_sum3A_34 = vector.multi_reduction <add>, %reduce_sum3A_32, %reduce_sum3A_33 [1, 2] : vector<1x1024x1xf32> to vector<1xf32>
    %reduce_sum3A_35 = vector.shape_cast %reduce_sum3A_34 : vector<1xf32> to vector<1x1x1xf32>
    %reduce_sum3A_36 = vector.extract %reduce_sum3A_35[0, 0, 0] : f32 from vector<1x1x1xf32>
    %add3A_37 = arith.addf %get3A_31, %reduce_sum3A_36 : f32
    %swap3A_38 = arith.constant 0 : index
    %swap3A_39 = arith.constant 0 : index
    %swap3A_40 = memref.load %arg5[%swap3A_38, %swap3A_39] : memref<1x1xf32, #tpu.memory_space<smem>>
    memref.store %add3A_37, %arg5[%swap3A_38, %swap3A_39] : memref<1x1xf32, #tpu.memory_space<smem>>
    return
  }
  func.func @transform_0(%arg0: i32) -> (i32, i32) {
    %c0_i32 = arith.constant 0 : i32
    %c0_i32_0 = arith.constant 0 : i32
    return %arg0, %c0_i32 : i32, i32
  }
  func.func @transform_1(%arg0: i32) -> (i32, i32) {
    %c0_i32 = arith.constant 0 : i32
    %c0_i32_0 = arith.constant 0 : i32
    %c0_i32_1 = arith.constant 0 : i32
    return %c0_i32, %c0_i32_0 : i32, i32
  }
  func.func @transform_2(%arg0: i32) -> (i32, i32) {
    %c0_i32 = arith.constant 0 : i32
    %c0_i32_0 = arith.constant 0 : i32
    %c0_i32_1 = arith.constant 0 : i32
    return %c0_i32, %c0_i32_0 : i32, i32
  }
  func.func @transform_3(%arg0: i32) -> (i32, i32) {
    %c0_i32 = arith.constant 0 : i32
    %c0_i32_0 = arith.constant 0 : i32
    return %arg0, %c0_i32 : i32, i32
  }
  func.func @transform_4(%arg0: i32) -> (i32, i32) {
    %c0_i32 = arith.constant 0 : i32
    %c0_i32_0 = arith.constant 0 : i32
    %c0_i32_1 = arith.constant 0 : i32
    return %c0_i32, %c0_i32_0 : i32, i32
  }
}

</mosaic_0001>

<sc_bundles>
// kernel: kernel.4.cloned.1.call-start
scs
__scs_entry_jumppad:
0x0: {  	(pc) =	sbr.rel $0x88, $3  }
0x1: {  	(tag) =	ssettag $0x0;
	lr =	simm.s32 $0x1  }
0x2: {  	[smem:$0x3F9F] =	sst lr;
	_ =	strace $0xD0000000  }
0x3: {  	_ = 	snop  }
0x4: {  	_ = 	snop  }
0x5: {  	_ = 	snop  }
0x6: {  	_ = 	snop  }
0x7: {  	_ = 	snop  }
__scs_overlays_trampoline_lowered:
0x8: {  	[smem:$0x3FAE] =	sst s0  }
0x9: {  	[smem:$0x3FAF] =	sst s1  }
0xa: {  	[smem:$0x3FB0] =	sst s2  }
0xb: {  	[smem:$0x3FB1] =	sst s3  }
0xc: {  	[smem:$0x3FB2] =	sst s4  }
0xd: {  	[smem:$0x3FB3] =	sst s5  }
0xe: {  	[smem:$0x3FB4] =	sst s6  }
0xf: {  	[smem:$0x3FB5] =	sst s7  }
0x10: {  	[smem:$0x3FB6] =	sst s8  }
0x11: {  	[smem:$0x3FB7] =	sst s9;
	s0 =	simm.s32 @!p0 $0x0  }
0x12: {  	s1 =	sld [smem:$0x3F9D];
	s0 =	simm.s32 @p0 $0x1  }
0x13: {  	[smem:$0x3FB8] =	sst s0;
	s0 =	simm.s32 @!p1 $0x0  }
0x14: {  	s2 =	sld [smem:$0x3F9C];
	s0 =	simm.s32 @p1 $0x1  }
0x15: {  	[smem:$0x3FB9] =	sst s0;
	s0 =	simm.s32 @!p2 $0x0  }
0x16: {  	s3 =	sld [smem:$0x3FDB];
	s0 =	simm.s32 @p2 $0x1  }
0x17: {  	s4 =	simm.s32 $0x1BF5;
	[smem:$0x3FBB] =	sst s0  }
0x18: {  	s0 =	sld [smem:$0x3F9E];
	_ =	swait.ge [sflag:s4], $0x0  }
0x19: {  	s7 =	sld [smem:$0x3F9F]  }
0x1a: {  	s8 =	sadd.s32 $0xFFFFE003, lr  }
0x1b: {  	s9 =	sadd.s32 $0xFFFFFEF7, lr;
	s5 =	simm.s32 $0xFFFFFFFF;
	p2 =	slt.u32 s8, $0xFFFFF086  }
0x1c: {  	p1 =	slt.u32 s9, $0xF7A;
	s5 =	simm.s32 @!p2 $0x0  }
0x1d: {  	s5 =	simm.s32 @p1 $0x1;
	p0 =	seq.s32 s7, s2  }
0x1e: {  	s7 =	smul.u32 @!p0 $0xF7A, s2;
	p2 =	seq.s32 @!p0 s5, $0x0  }
0x1f: {  	s9 =	smul.u32 $0xF7A, s1;
	s8 =	simm.s32 @!p0 $0x1BF5;
	p2 =	por !p2, p0  }
0x20: {  	[sflag:s8] =	ssyncset.s32 @!p0 $0xFFFFF086;
	s6 =	sadd.s32 @!p0 s3, s7;
	s7 =	simm.s32 @!p0 $0x108  }
0x21: {  	s3 =	sadd.s32 s3, s9;
	s6 =	sadd.s32 @!p0 $0x88, s6;
	s7 =	simm.s32 @p2 $0x1082  }
0x22: {  	[simem:s7], [sflag:s8] =	dma.local @!p0 [hbm:s6], $0xF7A  }
0x23: {  	s9 =	sor.u32 $0xD0000000, s2;
	s6 =	simm.s32 $0x108;
	_ =	swait.ge @!p0 [sflag:s8], $0x0  }
0x24: {  	s3 =	sadd.s32 $0x88, s3;
	s6 =	simm.s32 @!p1 $0x1082;
	[sflag:s4] =	ssyncset.s32 $0xFFFFF086  }
0x25: {  	[simem:s6], [sflag:s4] =	dma.local [hbm:s3], $0xF7A  }
0x26: {  	[smem:$0x3F9F] =	sst s1;
	(tag) =	ssettag s2;
	_ =	strace s9  }
0x27: {  	s1 =	sld [smem:$0x3FAF]  }
0x28: {  	s2 =	sld [smem:$0x3FB0]  }
0x29: {  	s4 =	sld [smem:$0x3FB2]  }
0x2a: {  	p0 =	seq.s32 s5, $0x0;
	s5 =	sld [smem:$0x3FB3]  }
0x2b: {  	s6 =	sld [smem:$0x3FB4]  }
0x2c: {  	s7 =	sld [smem:$0x3FB5]  }
0x2d: {  	s3 =	simm.s32 $0x108;
	s8 =	sld [smem:$0x3FB6]  }
0x2e: {  	s3 =	simm.s32 @!p0 $0x1082;
	s9 =	sld [smem:$0x3FB7]  }
0x2f: {  	lr =	sadd.s32 s0, s3;
	s0 =	sld [smem:$0x3FAE]  }
0x30: {  	s3 =	sld [smem:$0x3FB1]  }
0x31: {  	[smem:$0x3FBA] =	sst s10  }
0x32: {  	s10 =	sld [smem:$0x3FB8];
	_ =	sdelay $0x3  }
0x33: {  	p0 =	seq.s32 s10, $0x1;
	s10 =	sld [smem:$0x3FBA];
	_ =	sdelay $0x3  }
0x34: {  	[smem:$0x3FBA] =	sst s10  }
0x35: {  	s10 =	sld [smem:$0x3FB9];
	_ =	sdelay $0x3  }
0x36: {  	p1 =	seq.s32 s10, $0x1;
	s10 =	sld [smem:$0x3FBA];
	_ =	sdelay $0x3  }
0x37: {  	[smem:$0x3FBA] =	sst s10  }
0x38: {  	s10 =	sld [smem:$0x3FBB]  }
0x39: {  	_ = 	snop;
	(pc) =	sbr.ind lr, $3  }
0x3a: {  	_ = 	snop  }
0x3b: {  	_ = 	snop  }
0x3c: {  	p2 =	seq.s32 s10, $0x1;
	s10 =	sld [smem:$0x3FBA]  }
0x3d: {  	_ =	shalt  }
0x3e: {  	_ =	shalt  }
0x3f: {  	_ =	shalt  }
0x40: {  	_ =	shalt  }
0x41: {  	_ =	shalt  }
0x42: {  	_ =	shalt  }
0x43: {  	_ =	shalt  }
0x44: {  	_ =	shalt  }
0x45: {  	_ =	shalt  }
0x46: {  	_ =	shalt  }
0x47: {  	_ =	shalt  }
0x48: {  	_ =	shalt  }
0x49: {  	_ =	shalt  }
0x4a: {  	_ =	shalt  }
0x4b: {  	_ =	shalt  }
0x4c: {  	_ =	shalt  }
0x4d: {  	_ =	shalt  }
0x4e: {  	_ =	shalt  }
0x4f: {  	_ =	shalt  }
0x50: {  	_ =	shalt  }
0x51: {  	_ =	shalt  }
0x52: {  	_ =	shalt  }
0x53: {  	_ =	shalt  }
0x54: {  	_ =	shalt  }
0x55: {  	_ =	shalt  }
0x56: {  	_ =	shalt  }
0x57: {  	_ =	shalt  }
0x58: {  	_ =	shalt  }
0x59: {  	_ =	shalt  }
0x5a: {  	_ =	shalt  }
0x5b: {  	_ =	shalt  }
0x5c: {  	_ =	shalt  }
0x5d: {  	_ =	shalt  }
0x5e: {  	_ =	shalt  }
0x5f: {  	_ =	shalt  }
0x60: {  	_ =	shalt  }
0x61: {  	_ =	shalt  }
0x62: {  	_ =	shalt  }
0x63: {  	_ =	shalt  }
0x64: {  	_ =	shalt  }
0x65: {  	_ =	shalt  }
0x66: {  	_ =	shalt  }
0x67: {  	_ =	shalt  }
0x68: {  	_ =	shalt  }
0x69: {  	_ =	shalt  }
0x6a: {  	_ =	shalt  }
0x6b: {  	_ =	shalt  }
0x6c: {  	_ =	shalt  }
0x6d: {  	_ =	shalt  }
0x6e: {  	_ =	shalt  }
0x6f: {  	_ =	shalt  }
0x70: {  	_ =	shalt  }
0x71: {  	_ =	shalt  }
0x72: {  	_ =	shalt  }
0x73: {  	_ =	shalt  }
0x74: {  	_ =	shalt  }
0x75: {  	_ =	shalt  }
0x76: {  	_ =	shalt  }
0x77: {  	_ =	shalt  }
0x78: {  	_ =	shalt  }
0x79: {  	_ =	shalt  }
0x7a: {  	_ =	shalt  }
0x7b: {  	_ =	shalt  }
0x7c: {  	_ =	shalt  }
0x7d: {  	_ =	shalt  }
0x7e: {  	_ =	shalt  }
0x7f: {  	_ =	shalt  }
0x80: {  	_ =	shalt  }
0x81: {  	_ =	shalt  }
0x82: {  	_ =	shalt  }
0x83: {  	_ =	shalt  }
0x84: {  	_ =	shalt  }
0x85: {  	_ =	shalt  }
0x86: {  	_ =	shalt  }
0x87: {  	_ =	shalt  }
.Lfunc_end0:
.L_simem_size_0:
called_computation_lowered:
.L_overlay_start_0:
0x88: {  	s2 =	sld [smem:$0x3FD9]  }
0x89: {  	s3 =	sld [smem:$0x3FFE];
	_ =	sdelay $0x1  }
0x8a: {  	s1 =	srdreg.scid  }
0x8b: {  	s0 =	sand.u32 $0x1, s1  }
0x8c: {  	s14 =	sshll.u32 s0, $0xA;
	s2 =	sadd.s32 s3, s2  }
0x8d: {  	s2 =	sadd.s32 s2, s14  }
0x8e: {  	[smem:$0x3FC6] =	sst s2  }
0x8f: {  	_ = 	snop  }
0x90: {  	s2 =	sld [smem:$0x3FD0];
	_ =	sdelay $0x2  }
0x91: {  	s4 =	simm.s32 $0xA;
	s5 =	simm.s32 $0x10;
	s15 =	sld [smem:$0x3FC8]  }
0x92: {  	[smem:s5], [sflag:s4] =	dma.local [hbm:s2], $0x1  }
0x93: {  	_ =	swait.eq [sflag:s4], $0x1  }
0x94: {  	[sflag:s4] =	ssyncset.done $0x0  }
0x95: {  	[sflag:s4] =	ssyncadd.s32 $0xFFFFFFFF  }
0x96: {  	s16 =	sld [smem:$0x10];
	(tm) =	ssettm $0x1  }
0x97: {  	s17 =	sld [smem:$0x3FFB];
	_ =	sdelay $0x3  }
0x98: {  	_ =	strace s17  }
0x99: {  	s4 =	sld [smem:$0x3FFC];
	_ =	sdelay $0x3  }
0x9a: {  	_ =	strace s4  }
0x9b: {  	s4 =	sld [smem:$0x3FFD];
	_ =	sdelay $0x3  }
0x9c: {  	_ =	strace s4  }
0x9d: {  	_ =	strace $0x8FFFFFFF  }
0x9e: {  	s18 =	sld [smem:$0x3FDB];
	_ =	sdelay $0x1  }
0x9f: {  	s19 =	simm.s32 $_scs_section_size  }
0xa0: {  	s6 =	simm.s32 $_size__tile_overlayer_lowered;
	s7 =	simm.s32 $_tile_overlayer_lowered  }
0xa1: {  	s22 =	simm.s32 $0x1BFF;
	s21 =	sshll.u32 s7, $0x1;
	s4 =	sadd.s32 s19, s18  }
0xa2: {  	s8 =	simm.s32 $0x0;
	s20 =	sshll.u32 s6, $0x1;
	s6 =	sadd.s32 s21, s4  }
0xa3: {  	[timem:s8], [sflag:s22] =	dma.local [hbm:s6], s20  }
0xa4: {  	_ =	swait.ge [sflag:s22], s20  }
0xa5: {  	s5 =	ssub.s32 $0x0, s20;
	[sflag:s22] =	ssyncset.done $0x0  }
0xa6: {  	[sflag:s22] =	ssyncadd.s32 s5;
	_ =	sdelay $0x1  }
0xa7: {  	s23 =	simm.s32 $0x1B8B  }
0xa8: {  	_ =	swait.ge [sflag:s23], $0x1  }
0xa9: {  	[sflag:s23] =	ssyncset.done $0x0  }
0xaa: {  	s25 =	simm.s32 $0x1B8E;
	s24 =	sld [smem:$0x3FFE];
	[sflag:s23] =	ssyncadd.s32 $0xFFFFFFFF  }
0xab: {  	s26 =	simm.s32 $execute0_lowered;
	[smem:$0x3FD2] =	sst s25  }
0xac: {  	s6 =	sshll.u32 s26, $0x1;
	_ =	strace $0x80000046;
	[dreg:$0x1] =	wrdreg $0xFFFFFFFF  }
0xad: {  	s28 =	simm.s32 $_size_execute0_lowered;
	s4 =	sadd.s32 s4, s6;
	[dreg:$0x0] =	wrdreg $0x0  }
0xae: {  	s6 =	sshll.u32 s28, $0x1;
	[dreg:$0x2] =	wrdreg s4  }
0xaf: {  	[dreg:$0x3] =	wrdreg s6  }
0xb0: {  	[dreg:$0x4] =	wrdreg $0xC0  }
0xb1: {  	_ =	task [dreg:s8], $0x5FFFF  }
0xb2: {  	[dreg:$0x1] =	wrdreg $0xFFFFFFFF  }
0xb3: {  	[dreg:$0x0] =	wrdreg $0x60  }
0xb4: {  	[dreg:$0x2] =	wrdreg s15  }
0xb5: {  	[dreg:$0x3] =	wrdreg s24  }
0xb6: {  	[dreg:$0x4] =	wrdreg s16  }
0xb7: {  	[dreg:$0x5] =	wrdreg $0x9  }
0xb8: {  	_ =	task.clear_ibuf [dreg:s8], $0x6FFFF;
	_ =	strace $0x90000046  }
0xb9: {  	s29 =	simm.s32 $0x9;
	_ =	strace $0x80000048  }
0xba: {  	_ =	swait.ge [sflag:s29], $0x1  }
0xbb: {  	[sflag:s29] =	ssyncadd.s32 $0xFFFFFFFF  }
0xbc: {  	_ =	strace $0x90000048  }
0xbd: {  	_ =	sfence  }
0xbe: {  	s30 =	sld [smem:$0x0];
	_ =	sdelay $0x2  }
0xbf: {  	s31 =	sshll.u32 s1, $0xD;
	s1 =	sshrl.u32 s1, $0x2  }
0xc0: {  	s3 =	sand.u32 $0x4000, s31;
	s1 =	sadd.s32 s1, s30  }
0xc1: {  	s0 =	sor.u32 s3, s0;
	s1 =	sshll.u32 s1, $0x11  }
0xc2: {  	s0 =	sor.u32 s1, s0  }
0xc3: {  	s0 =	sadd.s32 $0x8F2B, s0  }
0xc4: {  	[sflag:s0] =	ssyncadd.remote.s32 $0x1  }
0xc5: {  	_ =	sfence.sel $0xFFFF  }
0xc6: {  	[dreg:$0x0] =	wrdreg $0xFFFFFFFF;
	(pc) =	sbr.abs _section_cstart, $3  }
0xc7: {  	[dreg:$0x1] =	wrdreg $0xFFFFFFFF  }
0xc8: {  	_ =	task.clear_ibuf [dreg:s8], $0x2FFFF;
	_ =	strace $0x9FFFFFFF  }
0xc9: {  	(tm) =	ssettm $0x7FFFFFFF  }
tec
execute0_lowered:
.L_overlay_start_1:
0x0: {  	(tag) =	ssettag $0x1  }
0x1: {  	s1 =	rddreg [dreg:$0x0]  }
0x2: {  	s0 =	srdreg.scid;
	s2 =	rddreg [dreg:$0x1]  }
0x3: {  	s3 =	stileid.u32;
	s4 =	sand.u32 $0x1, s0;
	s0 =	rddreg [dreg:$0x2]  }
0x4: {  	s5 =	sshll.u32 s3, $0xB;
	s3 =	simm.s32 $0x0;
	s6 =	sshll.u32 s4, $0xA  }
0x5: {  	s29 =	simm.s32 $0x100;
	[smem:$0x7FF] =	sst s3;
	s5 =	sor.u32 s6, s5  }
0x6: {  	s4 =	ssub.s32 $0x2, s4;
	_ =	strace $0x80000047;
	s6 =	sshrl.u32 s5, $0x3  }
0x7: {  	s7 =	sor.u32 $0x80, s5;
	s24 =	sshll.u32 s5, $0x5;
	s26 =	sor.u32 $0x100, s5  }
0x8: {  	s9 =	sor.u32 $0x180, s5;
	s13 =	sor.u32 $0x200, s5;
	s16 =	sor.u32 $0x280, s5  }
0x9: {  	s21 =	sor.u32 $0x300, s5;
	s5 =	sor.u32 $0x380, s5;
	s6 =	sadd.s32 s2, s6  }
0xa: {  	s8 =	sshrl.u32 s7, $0x3;
	s25 =	sadd.s32 s0, s24;
	s28 =	sshrl.u32 s26, $0x3  }
0xb: {  	s7 =	sshll.u32 s7, $0x5;
	s31 =	sshrl.u32 s9, $0x3;
	s11 =	sshll.u32 s26, $0x5  }
0xc: {  	s14 =	sshrl.u32 s13, $0x3;
	s15 =	sshll.u32 s9, $0x5;
	[dreg:$0x4] =	wrdreg s6  }
0xd: {  	s18 =	sshrl.u32 s16, $0x3;
	s23 =	sadd.s32 s2, s8;
	[dreg:$0x6] =	wrdreg s25  }
0xe: {  	s22 =	sshrl.u32 s21, $0x3;
	s6 =	sadd.s32 s2, s28;
	[dreg:$0x5] =	wrdreg s23  }
0xf: {  	s26 =	sshll.u32 s21, $0x5;
	s30 =	sadd.s32 s0, s7;
	[dreg:$0x7] =	wrdreg s6  }
0x10: {  	s10 =	sadd.s32 s2, s31;
	s12 =	sadd.s32 s0, s11;
	[dreg:$0x8] =	wrdreg s30  }
0x11: {  	s17 =	sadd.s32 s0, s15;
	s19 =	sadd.s32 s2, s18;
	[dreg:$0x9] =	wrdreg s10  }
0x12: {  	s7 =	sshll.u32 s13, $0x5;
	s25 =	sshrl.u32 s5, $0x3;
	[dreg:$0xa] =	wrdreg s12  }
0x13: {  	s28 =	sadd.s32 s0, s26;
	s5 =	sshll.u32 s5, $0x5;
	[dreg:$0xc] =	wrdreg s17  }
0x14: {  	s13 =	simm.s32 $0x1;
	s15 =	simm.s32 $0x2;
	[dreg:$0xd] =	wrdreg s19  }
0x15: {  	s6 =	sadd.s32 s2, s14;
	s20 =	sadd.s32 s0, s7;
	[dreg:$0x12] =	wrdreg s28  }
0x16: {  	s23 =	sshll.u32 s16, $0x5;
	s30 =	sshrl.u32 s4, $0x1;
	[dreg:$0xb] =	wrdreg s6  }
0x17: {  	s14 =	simm.s32 $0x3;
	[dreg:$0xe] =	wrdreg s20;
	s6 =	sadd.s32 s2, s22  }
0x18: {  	s16 =	simm.s32 $0x4;
	s24 =	sadd.s32 s0, s23;
	[dreg:$0xf] =	wrdreg s6  }
0x19: {  	v2 =	vlaneseq.u32;
	s2 =	sadd.s32 s2, s25;
	s0 =	sadd.s32 s0, s5;
	[dreg:$0x10] =	wrdreg s24  }
0x1a: {  	vm0 =	vmmov $0xffff;
	v1 =	vshrl.u32 v2, $0x3;
	s31 =	ssub.s32 s4, s30;
	s5 =	simm.s32 $0x5;
	[dreg:$0x11] =	wrdreg s2  }
0x1b: {  	v0 =	vand.u32 $0x7, v2;
	v2 =	vor.u32 $0x8, v2;
	v1 =	vmul.u32 $0x8, v1;
	s23 =	simm.s32 $0x8100;
	[dreg:$0x13] =	wrdreg s0;
	s4 =	smax.u32 s31, $0x1  }
.LBB2_1:
0x1c: {  	s17 =	rddreg [dreg:$0x4]  }
0x1d: {  	[tilespmem:s3], [sflag:$0x5] =	stream.linear.gather [hbm4b:s17+s3], $0x80, $0x38;
	[tilespmem:$0x10100] =	vst v63  }
0x1e: {  	_ =	swait.ge [sflag:s5], $0x80  }
0x1f: {  	[sflag:s5] =	ssyncset.done $0x0  }
0x20: {  	[sflag:s5] =	ssyncadd.s32 $0xFFFFFF80  }
0x21: {  	v3 =	vld [tilespmem:$0x0];
	_ =	sdelay $0x4  }
0x22: {  	v4 =	vshll.u32 v3, $0x1  }
0x23: {  	v3 =	vand.u32 $0x7, v3;
	v4 =	vand.u32 $0xFFFFFFF0, v4  }
0x24: {  	v3 =	vor.u32 v3, v4  }
0x25: {  	v4 =	vperm.xlane v3, v0;
	_ =	sdelay $0x1  }
0x26: {  	v3 =	vperm.xlane v3, v2;
	v4 =	vadd.s32 v1, v4;
	_ =	sdelay $0x1  }
0x27: {  	v3 =	vadd.s32 v1, v3;
	_ =	sdelay $0x2  }
0x28: {  	[tilespmem:s29], [sflag:$0x1] =	stream.indirect_vreg.gather [hbm4b:s1+s3], $0x80, v4, vm0, $0xb8;
	[tilespmem:$0x10100] =	vst v63  }
0x29: {  	s0 =	simm.s32 $0x900  }
0x2a: {  	[tilespmem:s0], [sflag:$0x1] =	stream.indirect_vreg.gather [hbm4b:s1+s3], $0x80, v3, vm0, $0xb8;
	[tilespmem:$0x10100] =	vst v63  }
0x2b: {  	v3 =	vld [tilespmem:$0x10];
	_ =	sdelay $0x4  }
0x2c: {  	v57 =	vshll.u32 v3, $0x1  }
0x2d: {  	v3 =	vand.u32 $0x7, v3;
	v4 =	vand.u32 $0xFFFFFFF0, v57  }
0x2e: {  	v3 =	vor.u32 v3, v4  }
0x2f: {  	v4 =	vperm.xlane v3, v0;
	_ =	sdelay $0x1  }
0x30: {  	v3 =	vperm.xlane v3, v2;
	v4 =	vadd.s32 v1, v4;
	_ =	sdelay $0x1  }
0x31: {  	v3 =	vadd.s32 v1, v3;
	_ =	sdelay $0x1  }
0x32: {  	s26 =	simm.s32 $0x1100  }
0x33: {  	[tilespmem:s26], [sflag:$0x1] =	stream.indirect_vreg.gather [hbm4b:s1+s3], $0x80, v4, vm0, $0xb8;
	[tilespmem:$0x10100] =	vst v63  }
0x34: {  	s28 =	simm.s32 $0x1900  }
0x35: {  	[tilespmem:s28], [sflag:$0x1] =	stream.indirect_vreg.gather [hbm4b:s1+s3], $0x80, v3, vm0, $0xb8;
	[tilespmem:$0x10100] =	vst v63  }
0x36: {  	v3 =	vld [tilespmem:$0x20];
	_ =	sdelay $0x4  }
0x37: {  	v58 =	vshll.u32 v3, $0x1  }
0x38: {  	v3 =	vand.u32 $0x7, v3;
	v4 =	vand.u32 $0xFFFFFFF0, v58  }
0x39: {  	v3 =	vor.u32 v3, v4  }
0x3a: {  	v4 =	vperm.xlane v3, v0;
	_ =	sdelay $0x1  }
0x3b: {  	v3 =	vperm.xlane v3, v2;
	v4 =	vadd.s32 v1, v4;
	_ =	sdelay $0x1  }
0x3c: {  	v3 =	vadd.s32 v1, v3;
	_ =	sdelay $0x1  }
0x3d: {  	s30 =	simm.s32 $0x2100  }
0x3e: {  	[tilespmem:s30], [sflag:$0x1] =	stream.indirect_vreg.gather [hbm4b:s1+s3], $0x80, v4, vm0, $0xb8;
	[tilespmem:$0x10100] =	vst v63  }
0x3f: {  	s31 =	simm.s32 $0x2900  }
0x40: {  	[tilespmem:s31], [sflag:$0x1] =	stream.indirect_vreg.gather [hbm4b:s1+s3], $0x80, v3, vm0, $0xb8;
	[tilespmem:$0x10100] =	vst v63  }
0x41: {  	v3 =	vld [tilespmem:$0x30];
	_ =	sdelay $0x4  }
0x42: {  	v59 =	vshll.u32 v3, $0x1  }
0x43: {  	v3 =	vand.u32 $0x7, v3;
	v4 =	vand.u32 $0xFFFFFFF0, v59  }
0x44: {  	v3 =	vor.u32 v3, v4  }
0x45: {  	v4 =	vperm.xlane v3, v0;
	_ =	sdelay $0x1  }
0x46: {  	v3 =	vperm.xlane v3, v2;
	v4 =	vadd.s32 v1, v4;
	_ =	sdelay $0x1  }
0x47: {  	v3 =	vadd.s32 v1, v3;
	_ =	sdelay $0x1  }
0x48: {  	s2 =	simm.s32 $0x3100  }
0x49: {  	[tilespmem:s2], [sflag:$0x1] =	stream.indirect_vreg.gather [hbm4b:s1+s3], $0x80, v4, vm0, $0xb8;
	[tilespmem:$0x10100] =	vst v63  }
0x4a: {  	s9 =	simm.s32 $0x3900  }
0x4b: {  	[tilespmem:s9], [sflag:$0x1] =	stream.indirect_vreg.gather [hbm4b:s1+s3], $0x80, v3, vm0, $0xb8;
	[tilespmem:$0x10100] =	vst v63  }
0x4c: {  	v3 =	vld [tilespmem:$0x40];
	_ =	sdelay $0x4  }
0x4d: {  	v60 =	vshll.u32 v3, $0x1  }
0x4e: {  	v3 =	vand.u32 $0x7, v3;
	v4 =	vand.u32 $0xFFFFFFF0, v60  }
0x4f: {  	v3 =	vor.u32 v3, v4  }
0x50: {  	v4 =	vperm.xlane v3, v0;
	_ =	sdelay $0x1  }
0x51: {  	v3 =	vperm.xlane v3, v2;
	v4 =	vadd.s32 v1, v4;
	_ =	sdelay $0x1  }
0x52: {  	v3 =	vadd.s32 v1, v3;
	_ =	sdelay $0x1  }
0x53: {  	s10 =	simm.s32 $0x4100  }
0x54: {  	[tilespmem:s10], [sflag:$0x1] =	stream.indirect_vreg.gather [hbm4b:s1+s3], $0x80, v4, vm0, $0xb8;
	[tilespmem:$0x10100] =	vst v63  }
0x55: {  	s11 =	simm.s32 $0x4900  }
0x56: {  	[tilespmem:s11], [sflag:$0x1] =	stream.indirect_vreg.gather [hbm4b:s1+s3], $0x80, v3, vm0, $0xb8;
	[tilespmem:$0x10100] =	vst v63  }
0x57: {  	v3 =	vld [tilespmem:$0x50];
	_ =	sdelay $0x4  }
0x58: {  	v61 =	vshll.u32 v3, $0x1  }
0x59: {  	v3 =	vand.u32 $0x7, v3;
	v4 =	vand.u32 $0xFFFFFFF0, v61  }
0x5a: {  	v3 =	vor.u32 v3, v4  }
0x5b: {  	v4 =	vperm.xlane v3, v0;
	_ =	sdelay $0x1  }
0x5c: {  	v3 =	vperm.xlane v3, v2;
	v4 =	vadd.s32 v1, v4;
	_ =	sdelay $0x1  }
0x5d: {  	v3 =	vadd.s32 v1, v3;
	_ =	sdelay $0x1  }
0x5e: {  	s12 =	simm.s32 $0x5100  }
0x5f: {  	[tilespmem:s12], [sflag:$0x1] =	stream.indirect_vreg.gather [hbm4b:s1+s3], $0x80, v4, vm0, $0xb8;
	[tilespmem:$0x10100] =	vst v63  }
0x60: {  	s17 =	simm.s32 $0x5900  }
0x61: {  	[tilespmem:s17], [sflag:$0x1] =	stream.indirect_vreg.gather [hbm4b:s1+s3], $0x80, v3, vm0, $0xb8;
	[tilespmem:$0x10100] =	vst v63  }
0x62: {  	v3 =	vld [tilespmem:$0x60];
	_ =	sdelay $0x4  }
0x63: {  	v62 =	vshll.u32 v3, $0x1  }
0x64: {  	v3 =	vand.u32 $0x7, v3;
	v4 =	vand.u32 $0xFFFFFFF0, v62  }
0x65: {  	v3 =	vor.u32 v3, v4  }
0x66: {  	v4 =	vperm.xlane v3, v0;
	_ =	sdelay $0x1  }
0x67: {  	v3 =	vperm.xlane v3, v2;
	v4 =	vadd.s32 v1, v4;
	_ =	sdelay $0x1  }
0x68: {  	v3 =	vadd.s32 v1, v3;
	_ =	sdelay $0x1  }
0x69: {  	s18 =	simm.s32 $0x6100  }
0x6a: {  	[tilespmem:s18], [sflag:$0x1] =	stream.indirect_vreg.gather [hbm4b:s1+s3], $0x80, v4, vm0, $0xb8;
	[tilespmem:$0x10100] =	vst v63  }
0x6b: {  	s19 =	simm.s32 $0x6900  }
0x6c: {  	[tilespmem:s19], [sflag:$0x1] =	stream.indirect_vreg.gather [hbm4b:s1+s3], $0x80, v3, vm0, $0xb8;
	[tilespmem:$0x10100] =	vst v63  }
0x6d: {  	v3 =	vld [tilespmem:$0x70];
	_ =	sdelay $0x4  }
0x6e: {  	v63 =	vshll.u32 v3, $0x1  }
0x6f: {  	v3 =	vand.u32 $0x7, v3;
	v4 =	vand.u32 $0xFFFFFFF0, v63  }
0x70: {  	v3 =	vor.u32 v3, v4  }
0x71: {  	v4 =	vperm.xlane v3, v0;
	_ =	sdelay $0x1  }
0x72: {  	v3 =	vperm.xlane v3, v2;
	v4 =	vadd.s32 v1, v4;
	_ =	sdelay $0x1  }
0x73: {  	v3 =	vadd.s32 v1, v3;
	_ =	sdelay $0x1  }
0x74: {  	s20 =	simm.s32 $0x7100  }
0x75: {  	[tilespmem:s20], [sflag:$0x1] =	stream.indirect_vreg.gather [hbm4b:s1+s3], $0x80, v4, vm0, $0xb8;
	[tilespmem:$0x10100] =	vst v63  }
0x76: {  	s22 =	simm.s32 $0x7900  }
0x77: {  	[tilespmem:s22], [sflag:$0x1] =	stream.indirect_vreg.gather [hbm4b:s1+s3], $0x80, v3, vm0, $0xb8;
	[tilespmem:$0x10100] =	vst v63  }
0x78: {  	s24 =	simm.s32 $0x80;
	s21 =	rddreg [dreg:$0x5]  }
0x79: {  	[tilespmem:s24], [sflag:$0x5] =	stream.linear.gather [hbm4b:s21+s3], $0x80, $0x38;
	[tilespmem:$0x10100] =	vst v63  }
0x7a: {  	_ =	swait.ge [sflag:s5], $0x80  }
0x7b: {  	[sflag:s5] =	ssyncset.done $0x0  }
0x7c: {  	[sflag:s5] =	ssyncadd.s32 $0xFFFFFF80  }
0x7d: {  	v3 =	vld [tilespmem:$0x80];
	_ =	sdelay $0x4  }
0x7e: {  	v8 =	vshll.u32 v3, $0x1  }
0x7f: {  	v3 =	vand.u32 $0x7, v3;
	v4 =	vand.u32 $0xFFFFFFF0, v8  }
0x80: {  	v3 =	vor.u32 v3, v4  }
0x81: {  	v4 =	vperm.xlane v3, v0;
	_ =	sdelay $0x1  }
0x82: {  	v3 =	vperm.xlane v3, v2;
	v4 =	vadd.s32 v1, v4;
	_ =	sdelay $0x1  }
0x83: {  	v3 =	vadd.s32 v1, v3;
	_ =	sdelay $0x2  }
0x84: {  	[tilespmem:s23], [sflag:$0x2] =	stream.indirect_vreg.gather [hbm4b:s1+s3], $0x80, v4, vm0, $0xb8;
	[tilespmem:$0x10100] =	vst v63  }
0x85: {  	s25 =	simm.s32 $0x8900  }
0x86: {  	[tilespmem:s25], [sflag:$0x2] =	stream.indirect_vreg.gather [hbm4b:s1+s3], $0x80, v3, vm0, $0xb8;
	[tilespmem:$0x10100] =	vst v63  }
0x87: {  	v3 =	vld [tilespmem:$0x90];
	_ =	sdelay $0x4  }
0x88: {  	v9 =	vshll.u32 v3, $0x1  }
0x89: {  	v3 =	vand.u32 $0x7, v3;
	v4 =	vand.u32 $0xFFFFFFF0, v9  }
0x8a: {  	v3 =	vor.u32 v3, v4  }
0x8b: {  	v4 =	vperm.xlane v3, v0;
	_ =	sdelay $0x1  }
0x8c: {  	v3 =	vperm.xlane v3, v2;
	v4 =	vadd.s32 v1, v4;
	_ =	sdelay $0x1  }
0x8d: {  	v3 =	vadd.s32 v1, v3;
	_ =	sdelay $0x1  }
0x8e: {  	s26 =	simm.s32 $0x9100  }
0x8f: {  	[tilespmem:s26], [sflag:$0x2] =	stream.indirect_vreg.gather [hbm4b:s1+s3], $0x80, v4, vm0, $0xb8;
	[tilespmem:$0x10100] =	vst v63  }
0x90: {  	s28 =	simm.s32 $0x9900  }
0x91: {  	[tilespmem:s28], [sflag:$0x2] =	stream.indirect_vreg.gather [hbm4b:s1+s3], $0x80, v3, vm0, $0xb8;
	[tilespmem:$0x10100] =	vst v63  }
0x92: {  	v3 =	vld [tilespmem:$0xA0];
	_ =	sdelay $0x4  }
0x93: {  	v10 =	vshll.u32 v3, $0x1  }
0x94: {  	v3 =	vand.u32 $0x7, v3;
	v4 =	vand.u32 $0xFFFFFFF0, v10  }
0x95: {  	v3 =	vor.u32 v3, v4  }
0x96: {  	v4 =	vperm.xlane v3, v0;
	_ =	sdelay $0x1  }
0x97: {  	v3 =	vperm.xlane v3, v2;
	v4 =	vadd.s32 v1, v4;
	_ =	sdelay $0x1  }
0x98: {  	v3 =	vadd.s32 v1, v3;
	_ =	sdelay $0x1  }
0x99: {  	s30 =	simm.s32 $0xA100  }
0x9a: {  	[tilespmem:s30], [sflag:$0x2] =	stream.indirect_vreg.gather [hbm4b:s1+s3], $0x80, v4, vm0, $0xb8;
	[tilespmem:$0x10100] =	vst v63  }
0x9b: {  	s31 =	simm.s32 $0xA900  }
0x9c: {  	[tilespmem:s31], [sflag:$0x2] =	stream.indirect_vreg.gather [hbm4b:s1+s3], $0x80, v3, vm0, $0xb8;
	[tilespmem:$0x10100] =	vst v63  }
0x9d: {  	v3 =	vld [tilespmem:$0xB0];
	_ =	sdelay $0x4  }
0x9e: {  	v11 =	vshll.u32 v3, $0x1  }
0x9f: {  	v3 =	vand.u32 $0x7, v3;
	v4 =	vand.u32 $0xFFFFFFF0, v11  }
0xa0: {  	v3 =	vor.u32 v3, v4  }
0xa1: {  	v4 =	vperm.xlane v3, v0;
	_ =	sdelay $0x1  }
0xa2: {  	v3 =	vperm.xlane v3, v2;
	v4 =	vadd.s32 v1, v4;
	_ =	sdelay $0x1  }
0xa3: {  	v3 =	vadd.s32 v1, v3;
	_ =	sdelay $0x1  }
0xa4: {  	s0 =	simm.s32 $0xB100  }
0xa5: {  	[tilespmem:s0], [sflag:$0x2] =	stream.indirect_vreg.gather [hbm4b:s1+s3], $0x80, v4, vm0, $0xb8;
	[tilespmem:$0x10100] =	vst v63  }
0xa6: {  	s18 =	simm.s32 $0xB900  }
0xa7: {  	[tilespmem:s18], [sflag:$0x2] =	stream.indirect_vreg.gather [hbm4b:s1+s3], $0x80, v3, vm0, $0xb8;
	[tilespmem:$0x10100] =	vst v63  }
0xa8: {  	v3 =	vld [tilespmem:$0xC0];
	_ =	sdelay $0x4  }
0xa9: {  	v12 =	vshll.u32 v3, $0x1  }
0xaa: {  	v3 =	vand.u32 $0x7, v3;
	v4 =	vand.u32 $0xFFFFFFF0, v12  }
0xab: {  	v3 =	vor.u32 v3, v4  }
0xac: {  	v4 =	vperm.xlane v3, v0;
	_ =	sdelay $0x1  }
0xad: {  	v3 =	vperm.xlane v3, v2;
	v4 =	vadd.s32 v1, v4;
	_ =	sdelay $0x1  }
0xae: {  	v3 =	vadd.s32 v1, v3;
	_ =	sdelay $0x1  }
0xaf: {  	s19 =	simm.s32 $0xC100  }
0xb0: {  	[tilespmem:s19], [sflag:$0x2] =	stream.indirect_vreg.gather [hbm4b:s1+s3], $0x80, v4, vm0, $0xb8;
	[tilespmem:$0x10100] =	vst v63  }
0xb1: {  	s21 =	simm.s32 $0xC900  }
0xb2: {  	[tilespmem:s21], [sflag:$0x2] =	stream.indirect_vreg.gather [hbm4b:s1+s3], $0x80, v3, vm0, $0xb8;
	[tilespmem:$0x10100] =	vst v63  }
0xb3: {  	v3 =	vld [tilespmem:$0xD0];
	_ =	sdelay $0x4  }
0xb4: {  	v13 =	vshll.u32 v3, $0x1  }
0xb5: {  	v3 =	vand.u32 $0x7, v3;
	v4 =	vand.u32 $0xFFFFFFF0, v13  }
0xb6: {  	v3 =	vor.u32 v3, v4  }
0xb7: {  	v4 =	vperm.xlane v3, v0;
	_ =	sdelay $0x1  }
0xb8: {  	v3 =	vperm.xlane v3, v2;
	v4 =	vadd.s32 v1, v4;
	_ =	sdelay $0x1  }
0xb9: {  	v3 =	vadd.s32 v1, v3;
	_ =	sdelay $0x1  }
0xba: {  	s22 =	simm.s32 $0xD100  }
0xbb: {  	[tilespmem:s22], [sflag:$0x2] =	stream.indirect_vreg.gather [hbm4b:s1+s3], $0x80, v4, vm0, $0xb8;
	[tilespmem:$0x10100] =	vst v63  }
0xbc: {  	s24 =	simm.s32 $0xD900  }
0xbd: {  	[tilespmem:s24], [sflag:$0x2] =	stream.indirect_vreg.gather [hbm4b:s1+s3], $0x80, v3, vm0, $0xb8;
	[tilespmem:$0x10100] =	vst v63  }
0xbe: {  	v3 =	vld [tilespmem:$0xE0];
	_ =	sdelay $0x4  }
0xbf: {  	v14 =	vshll.u32 v3, $0x1  }
0xc0: {  	v3 =	vand.u32 $0x7, v3;
	v4 =	vand.u32 $0xFFFFFFF0, v14  }
0xc1: {  	v3 =	vor.u32 v3, v4  }
0xc2: {  	v4 =	vperm.xlane v3, v0;
	_ =	sdelay $0x1  }
0xc3: {  	v3 =	vperm.xlane v3, v2;
	v4 =	vadd.s32 v1, v4;
	_ =	sdelay $0x1  }
0xc4: {  	v3 =	vadd.s32 v1, v3;
	_ =	sdelay $0x1  }
0xc5: {  	s25 =	simm.s32 $0xE100  }
0xc6: {  	[tilespmem:s25], [sflag:$0x2] =	stream.indirect_vreg.gather [hbm4b:s1+s3], $0x80, v4, vm0, $0xb8;
	[tilespmem:$0x10100] =	vst v63  }
0xc7: {  	s31 =	simm.s32 $0xE900  }
0xc8: {  	[tilespmem:s31], [sflag:$0x2] =	stream.indirect_vreg.gather [hbm4b:s1+s3], $0x80, v3, vm0, $0xb8;
	[tilespmem:$0x10100] =	vst v63  }
0xc9: {  	v3 =	vld [tilespmem:$0xF0];
	_ =	sdelay $0x4  }
0xca: {  	v15 =	vshll.u32 v3, $0x1  }
0xcb: {  	v3 =	vand.u32 $0x7, v3;
	v4 =	vand.u32 $0xFFFFFFF0, v15  }
0xcc: {  	v3 =	vor.u32 v3, v4  }
0xcd: {  	v4 =	vperm.xlane v3, v0;
	_ =	sdelay $0x1  }
0xce: {  	v3 =	vperm.xlane v3, v2;
	v4 =	vadd.s32 v1, v4;
	_ =	sdelay $0x1  }
0xcf: {  	v3 =	vadd.s32 v1, v3;
	_ =	sdelay $0x1  }
0xd0: {  	s0 =	simm.s32 $0xF100  }
0xd1: {  	[tilespmem:s0], [sflag:$0x2] =	stream.indirect_vreg.gather [hbm4b:s1+s3], $0x80, v4, vm0, $0xb8;
	[tilespmem:$0x10100] =	vst v63  }
0xd2: {  	s18 =	simm.s32 $0xF900  }
0xd3: {  	[tilespmem:s18], [sflag:$0x2] =	stream.indirect_vreg.gather [hbm4b:s1+s3], $0x80, v3, vm0, $0xb8;
	[tilespmem:$0x10100] =	vst v63  }
0xd4: {  	_ =	swait.ge [sflag:s13], $0x8000  }
0xd5: {  	[sflag:s13] =	ssyncset.done $0x0  }
0xd6: {  	s19 =	rddreg [dreg:$0x6];
	[sflag:s13] =	ssyncadd.s32 $0xFFFF8000  }
0xd7: {  	[hbm4b:s19+s3] =	stream.linear.scatter [tilespmem:s29], [sflag:$0x3], $0x8000, $0x38;
	[tilespmem:$0x10100] =	vst v63  }
0xd8: {  	s18 =	rddreg [dreg:$0x7]  }
0xd9: {  	[tilespmem:s3], [sflag:$0x5] =	stream.linear.gather [hbm4b:s18+s3], $0x80, $0x38;
	[tilespmem:$0x10100] =	vst v63  }
0xda: {  	_ =	swait.ge [sflag:s5], $0x80  }
0xdb: {  	[sflag:s5] =	ssyncset.done $0x0  }
0xdc: {  	[sflag:s5] =	ssyncadd.s32 $0xFFFFFF80  }
0xdd: {  	_ =	swait.ge [sflag:s14], $0x8000  }
0xde: {  	[sflag:s14] =	ssyncset.done $0x0  }
0xdf: {  	[sflag:s14] =	ssyncadd.s32 $0xFFFF8000  }
0xe0: {  	v3 =	vld [tilespmem:$0x0];
	_ =	sdelay $0x4  }
0xe1: {  	v16 =	vshll.u32 v3, $0x1  }
0xe2: {  	v3 =	vand.u32 $0x7, v3;
	v4 =	vand.u32 $0xFFFFFFF0, v16  }
0xe3: {  	v3 =	vor.u32 v3, v4  }
0xe4: {  	v4 =	vperm.xlane v3, v0;
	_ =	sdelay $0x1  }
0xe5: {  	v3 =	vperm.xlane v3, v2;
	v4 =	vadd.s32 v1, v4;
	_ =	sdelay $0x1  }
0xe6: {  	v3 =	vadd.s32 v1, v3;
	_ =	sdelay $0x2  }
0xe7: {  	[tilespmem:s29], [sflag:$0x1] =	stream.indirect_vreg.gather [hbm4b:s1+s3], $0x80, v4, vm0, $0xb8;
	[tilespmem:$0x10100] =	vst v63  }
0xe8: {  	s6 =	simm.s32 $0x900  }
0xe9: {  	[tilespmem:s6], [sflag:$0x1] =	stream.indirect_vreg.gather [hbm4b:s1+s3], $0x80, v3, vm0, $0xb8;
	[tilespmem:$0x10100] =	vst v63  }
0xea: {  	v3 =	vld [tilespmem:$0x10];
	_ =	sdelay $0x4  }
0xeb: {  	v17 =	vshll.u32 v3, $0x1  }
0xec: {  	v3 =	vand.u32 $0x7, v3;
	v4 =	vand.u32 $0xFFFFFFF0, v17  }
0xed: {  	v3 =	vor.u32 v3, v4  }
0xee: {  	v4 =	vperm.xlane v3, v0;
	_ =	sdelay $0x1  }
0xef: {  	v3 =	vperm.xlane v3, v2;
	v4 =	vadd.s32 v1, v4;
	_ =	sdelay $0x1  }
0xf0: {  	v3 =	vadd.s32 v1, v3;
	_ =	sdelay $0x1  }
0xf1: {  	s6 =	simm.s32 $0x1100  }
0xf2: {  	[tilespmem:s6], [sflag:$0x1] =	stream.indirect_vreg.gather [hbm4b:s1+s3], $0x80, v4, vm0, $0xb8;
	[tilespmem:$0x10100] =	vst v63  }
0xf3: {  	s7 =	simm.s32 $0x1900  }
0xf4: {  	[tilespmem:s7], [sflag:$0x1] =	stream.indirect_vreg.gather [hbm4b:s1+s3], $0x80, v3, vm0, $0xb8;
	[tilespmem:$0x10100] =	vst v63  }
0xf5: {  	v3 =	vld [tilespmem:$0x20];
	_ =	sdelay $0x4  }
0xf6: {  	v18 =	vshll.u32 v3, $0x1  }
0xf7: {  	v3 =	vand.u32 $0x7, v3;
	v4 =	vand.u32 $0xFFFFFFF0, v18  }
0xf8: {  	v3 =	vor.u32 v3, v4  }
0xf9: {  	v4 =	vperm.xlane v3, v0;
	_ =	sdelay $0x1  }
0xfa: {  	v3 =	vperm.xlane v3, v2;
	v4 =	vadd.s32 v1, v4;
	_ =	sdelay $0x1  }
0xfb: {  	v3 =	vadd.s32 v1, v3;
	_ =	sdelay $0x1  }
0xfc: {  	s7 =	simm.s32 $0x2100  }
0xfd: {  	[tilespmem:s7], [sflag:$0x1] =	stream.indirect_vreg.gather [hbm4b:s1+s3], $0x80, v4, vm0, $0xb8;
	[tilespmem:$0x10100] =	vst v63  }
0xfe: {  	s8 =	simm.s32 $0x2900  }
0xff: {  	[tilespmem:s8], [sflag:$0x1] =	stream.indirect_vreg.gather [hbm4b:s1+s3], $0x80, v3, vm0, $0xb8;
	[tilespmem:$0x10100] =	vst v63  }
0x100: {  	v3 =	vld [tilespmem:$0x30];
	_ =	sdelay $0x4  }
0x101: {  	v19 =	vshll.u32 v3, $0x1  }
0x102: {  	v3 =	vand.u32 $0x7, v3;
	v4 =	vand.u32 $0xFFFFFFF0, v19  }
0x103: {  	v3 =	vor.u32 v3, v4  }
0x104: {  	v4 =	vperm.xlane v3, v0;
	_ =	sdelay $0x1  }
0x105: {  	v3 =	vperm.xlane v3, v2;
	v4 =	vadd.s32 v1, v4;
	_ =	sdelay $0x1  }
0x106: {  	v3 =	vadd.s32 v1, v3;
	_ =	sdelay $0x1  }
0x107: {  	s8 =	simm.s32 $0x3100  }
0x108: {  	[tilespmem:s8], [sflag:$0x1] =	stream.indirect_vreg.gather [hbm4b:s1+s3], $0x80, v4, vm0, $0xb8;
	[tilespmem:$0x10100] =	vst v63  }
0x109: {  	s9 =	simm.s32 $0x3900  }
0x10a: {  	[tilespmem:s9], [sflag:$0x1] =	stream.indirect_vreg.gather [hbm4b:s1+s3], $0x80, v3, vm0, $0xb8;
	[tilespmem:$0x10100] =	vst v63  }
0x10b: {  	v3 =	vld [tilespmem:$0x40];
	_ =	sdelay $0x4  }
0x10c: {  	v20 =	vshll.u32 v3, $0x1  }
0x10d: {  	v3 =	vand.u32 $0x7, v3;
	v4 =	vand.u32 $0xFFFFFFF0, v20  }
0x10e: {  	v3 =	vor.u32 v3, v4  }
0x10f: {  	v4 =	vperm.xlane v3, v0;
	_ =	sdelay $0x1  }
0x110: {  	v3 =	vperm.xlane v3, v2;
	v4 =	vadd.s32 v1, v4;
	_ =	sdelay $0x1  }
0x111: {  	v3 =	vadd.s32 v1, v3;
	_ =	sdelay $0x1  }
0x112: {  	s9 =	simm.s32 $0x4100  }
0x113: {  	[tilespmem:s9], [sflag:$0x1] =	stream.indirect_vreg.gather [hbm4b:s1+s3], $0x80, v4, vm0, $0xb8;
	[tilespmem:$0x10100] =	vst v63  }
0x114: {  	s11 =	simm.s32 $0x4900  }
0x115: {  	[tilespmem:s11], [sflag:$0x1] =	stream.indirect_vreg.gather [hbm4b:s1+s3], $0x80, v3, vm0, $0xb8;
	[tilespmem:$0x10100] =	vst v63  }
0x116: {  	v3 =	vld [tilespmem:$0x50];
	_ =	sdelay $0x4  }
0x117: {  	v21 =	vshll.u32 v3, $0x1  }
0x118: {  	v3 =	vand.u32 $0x7, v3;
	v4 =	vand.u32 $0xFFFFFFF0, v21  }
0x119: {  	v3 =	vor.u32 v3, v4  }
0x11a: {  	v4 =	vperm.xlane v3, v0;
	_ =	sdelay $0x1  }
0x11b: {  	v3 =	vperm.xlane v3, v2;
	v4 =	vadd.s32 v1, v4;
	_ =	sdelay $0x1  }
0x11c: {  	v3 =	vadd.s32 v1, v3;
	_ =	sdelay $0x1  }
0x11d: {  	s10 =	simm.s32 $0x5100  }
0x11e: {  	[tilespmem:s10], [sflag:$0x1] =	stream.indirect_vreg.gather [hbm4b:s1+s3], $0x80, v4, vm0, $0xb8;
	[tilespmem:$0x10100] =	vst v63  }
0x11f: {  	s12 =	simm.s32 $0x5900  }
0x120: {  	[tilespmem:s12], [sflag:$0x1] =	stream.indirect_vreg.gather [hbm4b:s1+s3], $0x80, v3, vm0, $0xb8;
	[tilespmem:$0x10100] =	vst v63  }
0x121: {  	v3 =	vld [tilespmem:$0x60];
	_ =	sdelay $0x4  }
0x122: {  	v22 =	vshll.u32 v3, $0x1  }
0x123: {  	v3 =	vand.u32 $0x7, v3;
	v4 =	vand.u32 $0xFFFFFFF0, v22  }
0x124: {  	v3 =	vor.u32 v3, v4  }
0x125: {  	v4 =	vperm.xlane v3, v0;
	_ =	sdelay $0x1  }
0x126: {  	v3 =	vperm.xlane v3, v2;
	v4 =	vadd.s32 v1, v4;
	_ =	sdelay $0x1  }
0x127: {  	v3 =	vadd.s32 v1, v3;
	_ =	sdelay $0x1  }
0x128: {  	s10 =	simm.s32 $0x6100  }
0x129: {  	[tilespmem:s10], [sflag:$0x1] =	stream.indirect_vreg.gather [hbm4b:s1+s3], $0x80, v4, vm0, $0xb8;
	[tilespmem:$0x10100] =	vst v63  }
0x12a: {  	s11 =	simm.s32 $0x6900  }
0x12b: {  	[tilespmem:s11], [sflag:$0x1] =	stream.indirect_vreg.gather [hbm4b:s1+s3], $0x80, v3, vm0, $0xb8;
	[tilespmem:$0x10100] =	vst v63  }
0x12c: {  	v3 =	vld [tilespmem:$0x70];
	_ =	sdelay $0x4  }
0x12d: {  	v23 =	vshll.u32 v3, $0x1  }
0x12e: {  	v3 =	vand.u32 $0x7, v3;
	v4 =	vand.u32 $0xFFFFFFF0, v23  }
0x12f: {  	v3 =	vor.u32 v3, v4  }
0x130: {  	v4 =	vperm.xlane v3, v0;
	_ =	sdelay $0x1  }
0x131: {  	v3 =	vperm.xlane v3, v2;
	v4 =	vadd.s32 v1, v4;
	_ =	sdelay $0x1  }
0x132: {  	v3 =	vadd.s32 v1, v3;
	_ =	sdelay $0x1  }
0x133: {  	s12 =	simm.s32 $0x7100  }
0x134: {  	[tilespmem:s12], [sflag:$0x1] =	stream.indirect_vreg.gather [hbm4b:s1+s3], $0x80, v4, vm0, $0xb8;
	[tilespmem:$0x10100] =	vst v63  }
0x135: {  	s19 =	simm.s32 $0x7900  }
0x136: {  	[tilespmem:s19], [sflag:$0x1] =	stream.indirect_vreg.gather [hbm4b:s1+s3], $0x80, v3, vm0, $0xb8;
	[tilespmem:$0x10100] =	vst v63  }
0x137: {  	_ =	swait.ge [sflag:s15], $0x8000  }
0x138: {  	[sflag:s15] =	ssyncset.done $0x0  }
0x139: {  	s31 =	rddreg [dreg:$0x8];
	[sflag:s15] =	ssyncadd.s32 $0xFFFF8000  }
0x13a: {  	[hbm4b:s31+s3] =	stream.linear.scatter [tilespmem:s23], [sflag:$0x4], $0x8000, $0x38;
	[tilespmem:$0x10100] =	vst v63  }
0x13b: {  	s2 =	simm.s32 $0x80;
	s0 =	rddreg [dreg:$0x9]  }
0x13c: {  	[tilespmem:s2], [sflag:$0x5] =	stream.linear.gather [hbm4b:s0+s3], $0x80, $0x38;
	[tilespmem:$0x10100] =	vst v63  }
0x13d: {  	_ =	swait.ge [sflag:s5], $0x80  }
0x13e: {  	[sflag:s5] =	ssyncset.done $0x0  }
0x13f: {  	[sflag:s5] =	ssyncadd.s32 $0xFFFFFF80  }
0x140: {  	_ =	swait.ge [sflag:s16], $0x8000  }
0x141: {  	[sflag:s16] =	ssyncset.done $0x0  }
0x142: {  	[sflag:s16] =	ssyncadd.s32 $0xFFFF8000  }
0x143: {  	v3 =	vld [tilespmem:$0x80];
	_ =	sdelay $0x4  }
0x144: {  	v24 =	vshll.u32 v3, $0x1  }
0x145: {  	v3 =	vand.u32 $0x7, v3;
	v4 =	vand.u32 $0xFFFFFFF0, v24  }
0x146: {  	v3 =	vor.u32 v3, v4  }
0x147: {  	v4 =	vperm.xlane v3, v0;
	_ =	sdelay $0x1  }
0x148: {  	v3 =	vperm.xlane v3, v2;
	v4 =	vadd.s32 v1, v4;
	_ =	sdelay $0x1  }
0x149: {  	v3 =	vadd.s32 v1, v3;
	_ =	sdelay $0x2  }
0x14a: {  	[tilespmem:s23], [sflag:$0x2] =	stream.indirect_vreg.gather [hbm4b:s1+s3], $0x80, v4, vm0, $0xb8;
	[tilespmem:$0x10100] =	vst v63  }
0x14b: {  	s2 =	simm.s32 $0x8900  }
0x14c: {  	[tilespmem:s2], [sflag:$0x2] =	stream.indirect_vreg.gather [hbm4b:s1+s3], $0x80, v3, vm0, $0xb8;
	[tilespmem:$0x10100] =	vst v63  }
0x14d: {  	v3 =	vld [tilespmem:$0x90];
	_ =	sdelay $0x4  }
0x14e: {  	v25 =	vshll.u32 v3, $0x1  }
0x14f: {  	v3 =	vand.u32 $0x7, v3;
	v4 =	vand.u32 $0xFFFFFFF0, v25  }
0x150: {  	v3 =	vor.u32 v3, v4  }
0x151: {  	v4 =	vperm.xlane v3, v0;
	_ =	sdelay $0x1  }
0x152: {  	v3 =	vperm.xlane v3, v2;
	v4 =	vadd.s32 v1, v4;
	_ =	sdelay $0x1  }
0x153: {  	v3 =	vadd.s32 v1, v3;
	_ =	sdelay $0x1  }
0x154: {  	s0 =	simm.s32 $0x9100  }
0x155: {  	[tilespmem:s0], [sflag:$0x2] =	stream.indirect_vreg.gather [hbm4b:s1+s3], $0x80, v4, vm0, $0xb8;
	[tilespmem:$0x10100] =	vst v63  }
0x156: {  	s28 =	simm.s32 $0x9900  }
0x157: {  	[tilespmem:s28], [sflag:$0x2] =	stream.indirect_vreg.gather [hbm4b:s1+s3], $0x80, v3, vm0, $0xb8;
	[tilespmem:$0x10100] =	vst v63  }
0x158: {  	v3 =	vld [tilespmem:$0xA0];
	_ =	sdelay $0x4  }
0x159: {  	v26 =	vshll.u32 v3, $0x1  }
0x15a: {  	v3 =	vand.u32 $0x7, v3;
	v4 =	vand.u32 $0xFFFFFFF0, v26  }
0x15b: {  	v3 =	vor.u32 v3, v4  }
0x15c: {  	v4 =	vperm.xlane v3, v0;
	_ =	sdelay $0x1  }
0x15d: {  	v3 =	vperm.xlane v3, v2;
	v4 =	vadd.s32 v1, v4;
	_ =	sdelay $0x1  }
0x15e: {  	v3 =	vadd.s32 v1, v3;
	_ =	sdelay $0x1  }
0x15f: {  	s30 =	simm.s32 $0xA100  }
0x160: {  	[tilespmem:s30], [sflag:$0x2] =	stream.indirect_vreg.gather [hbm4b:s1+s3], $0x80, v4, vm0, $0xb8;
	[tilespmem:$0x10100] =	vst v63  }
0x161: {  	s26 =	simm.s32 $0xA900  }
0x162: {  	[tilespmem:s26], [sflag:$0x2] =	stream.indirect_vreg.gather [hbm4b:s1+s3], $0x80, v3, vm0, $0xb8;
	[tilespmem:$0x10100] =	vst v63  }
0x163: {  	v3 =	vld [tilespmem:$0xB0];
	_ =	sdelay $0x4  }
0x164: {  	v27 =	vshll.u32 v3, $0x1  }
0x165: {  	v3 =	vand.u32 $0x7, v3;
	v4 =	vand.u32 $0xFFFFFFF0, v27  }
0x166: {  	v3 =	vor.u32 v3, v4  }
0x167: {  	v4 =	vperm.xlane v3, v0;
	_ =	sdelay $0x1  }
0x168: {  	v3 =	vperm.xlane v3, v2;
	v4 =	vadd.s32 v1, v4;
	_ =	sdelay $0x1  }
0x169: {  	v3 =	vadd.s32 v1, v3;
	_ =	sdelay $0x1  }
0x16a: {  	s18 =	simm.s32 $0xB100  }
0x16b: {  	[tilespmem:s18], [sflag:$0x2] =	stream.indirect_vreg.gather [hbm4b:s1+s3], $0x80, v4, vm0, $0xb8;
	[tilespmem:$0x10100] =	vst v63  }
0x16c: {  	s20 =	simm.s32 $0xB900  }
0x16d: {  	[tilespmem:s20], [sflag:$0x2] =	stream.indirect_vreg.gather [hbm4b:s1+s3], $0x80, v3, vm0, $0xb8;
	[tilespmem:$0x10100] =	vst v63  }
0x16e: {  	v3 =	vld [tilespmem:$0xC0];
	_ =	sdelay $0x4  }
0x16f: {  	v28 =	vshll.u32 v3, $0x1  }
0x170: {  	v3 =	vand.u32 $0x7, v3;
	v4 =	vand.u32 $0xFFFFFFF0, v28  }
0x171: {  	v3 =	vor.u32 v3, v4  }
0x172: {  	v4 =	vperm.xlane v3, v0;
	_ =	sdelay $0x1  }
0x173: {  	v3 =	vperm.xlane v3, v2;
	v4 =	vadd.s32 v1, v4;
	_ =	sdelay $0x1  }
0x174: {  	v3 =	vadd.s32 v1, v3;
	_ =	sdelay $0x1  }
0x175: {  	s20 =	simm.s32 $0xC100  }
0x176: {  	[tilespmem:s20], [sflag:$0x2] =	stream.indirect_vreg.gather [hbm4b:s1+s3], $0x80, v4, vm0, $0xb8;
	[tilespmem:$0x10100] =	vst v63  }
0x177: {  	s21 =	simm.s32 $0xC900  }
0x178: {  	[tilespmem:s21], [sflag:$0x2] =	stream.indirect_vreg.gather [hbm4b:s1+s3], $0x80, v3, vm0, $0xb8;
	[tilespmem:$0x10100] =	vst v63  }
0x179: {  	v3 =	vld [tilespmem:$0xD0];
	_ =	sdelay $0x4  }
0x17a: {  	v29 =	vshll.u32 v3, $0x1  }
0x17b: {  	v3 =	vand.u32 $0x7, v3;
	v4 =	vand.u32 $0xFFFFFFF0, v29  }
0x17c: {  	v3 =	vor.u32 v3, v4  }
0x17d: {  	v4 =	vperm.xlane v3, v0;
	_ =	sdelay $0x1  }
0x17e: {  	v3 =	vperm.xlane v3, v2;
	v4 =	vadd.s32 v1, v4;
	_ =	sdelay $0x1  }
0x17f: {  	v3 =	vadd.s32 v1, v3;
	_ =	sdelay $0x1  }
0x180: {  	s21 =	simm.s32 $0xD100  }
0x181: {  	[tilespmem:s21], [sflag:$0x2] =	stream.indirect_vreg.gather [hbm4b:s1+s3], $0x80, v4, vm0, $0xb8;
	[tilespmem:$0x10100] =	vst v63  }
0x182: {  	s22 =	simm.s32 $0xD900  }
0x183: {  	[tilespmem:s22], [sflag:$0x2] =	stream.indirect_vreg.gather [hbm4b:s1+s3], $0x80, v3, vm0, $0xb8;
	[tilespmem:$0x10100] =	vst v63  }
0x184: {  	v3 =	vld [tilespmem:$0xE0];
	_ =	sdelay $0x4  }
0x185: {  	v30 =	vshll.u32 v3, $0x1  }
0x186: {  	v3 =	vand.u32 $0x7, v3;
	v4 =	vand.u32 $0xFFFFFFF0, v30  }
0x187: {  	v3 =	vor.u32 v3, v4  }
0x188: {  	v4 =	vperm.xlane v3, v0;
	_ =	sdelay $0x1  }
0x189: {  	v3 =	vperm.xlane v3, v2;
	v4 =	vadd.s32 v1, v4;
	_ =	sdelay $0x1  }
0x18a: {  	v3 =	vadd.s32 v1, v3;
	_ =	sdelay $0x1  }
0x18b: {  	s22 =	simm.s32 $0xE100  }
0x18c: {  	[tilespmem:s22], [sflag:$0x2] =	stream.indirect_vreg.gather [hbm4b:s1+s3], $0x80, v4, vm0, $0xb8;
	[tilespmem:$0x10100] =	vst v63  }
0x18d: {  	s24 =	simm.s32 $0xE900  }
0x18e: {  	[tilespmem:s24], [sflag:$0x2] =	stream.indirect_vreg.gather [hbm4b:s1+s3], $0x80, v3, vm0, $0xb8;
	[tilespmem:$0x10100] =	vst v63  }
0x18f: {  	v3 =	vld [tilespmem:$0xF0];
	_ =	sdelay $0x4  }
0x190: {  	v31 =	vshll.u32 v3, $0x1  }
0x191: {  	v3 =	vand.u32 $0x7, v3;
	v4 =	vand.u32 $0xFFFFFFF0, v31  }
0x192: {  	v3 =	vor.u32 v3, v4  }
0x193: {  	v4 =	vperm.xlane v3, v0;
	_ =	sdelay $0x1  }
0x194: {  	v3 =	vperm.xlane v3, v2;
	v4 =	vadd.s32 v1, v4;
	_ =	sdelay $0x1  }
0x195: {  	v3 =	vadd.s32 v1, v3;
	_ =	sdelay $0x1  }
0x196: {  	s24 =	simm.s32 $0xF100  }
0x197: {  	[tilespmem:s24], [sflag:$0x2] =	stream.indirect_vreg.gather [hbm4b:s1+s3], $0x80, v4, vm0, $0xb8;
	[tilespmem:$0x10100] =	vst v63  }
0x198: {  	s25 =	simm.s32 $0xF900  }
0x199: {  	[tilespmem:s25], [sflag:$0x2] =	stream.indirect_vreg.gather [hbm4b:s1+s3], $0x80, v3, vm0, $0xb8;
	[tilespmem:$0x10100] =	vst v63  }
0x19a: {  	_ =	swait.ge [sflag:s13], $0x8000  }
0x19b: {  	[sflag:s13] =	ssyncset.done $0x0  }
0x19c: {  	s18 =	rddreg [dreg:$0xa];
	[sflag:s13] =	ssyncadd.s32 $0xFFFF8000  }
0x19d: {  	[hbm4b:s18+s3] =	stream.linear.scatter [tilespmem:s29], [sflag:$0x3], $0x8000, $0x38;
	[tilespmem:$0x10100] =	vst v63  }
0x19e: {  	s25 =	rddreg [dreg:$0xb]  }
0x19f: {  	[tilespmem:s3], [sflag:$0x5] =	stream.linear.gather [hbm4b:s25+s3], $0x80, $0x38;
	[tilespmem:$0x10100] =	vst v63  }
0x1a0: {  	_ =	swait.ge [sflag:s5], $0x80  }
0x1a1: {  	[sflag:s5] =	ssyncset.done $0x0  }
0x1a2: {  	[sflag:s5] =	ssyncadd.s32 $0xFFFFFF80  }
0x1a3: {  	_ =	swait.ge [sflag:s14], $0x8000  }
0x1a4: {  	[sflag:s14] =	ssyncset.done $0x0  }
0x1a5: {  	[sflag:s14] =	ssyncadd.s32 $0xFFFF8000  }
0x1a6: {  	v3 =	vld [tilespmem:$0x0];
	_ =	sdelay $0x4  }
0x1a7: {  	v32 =	vshll.u32 v3, $0x1  }
0x1a8: {  	v3 =	vand.u32 $0x7, v3;
	v4 =	vand.u32 $0xFFFFFFF0, v32  }
0x1a9: {  	v3 =	vor.u32 v3, v4  }
0x1aa: {  	v4 =	vperm.xlane v3, v0;
	_ =	sdelay $0x1  }
0x1ab: {  	v3 =	vperm.xlane v3, v2;
	v4 =	vadd.s32 v1, v4;
	_ =	sdelay $0x1  }
0x1ac: {  	v3 =	vadd.s32 v1, v3;
	_ =	sdelay $0x2  }
0x1ad: {  	[tilespmem:s29], [sflag:$0x1] =	stream.indirect_vreg.gather [hbm4b:s1+s3], $0x80, v4, vm0, $0xb8;
	[tilespmem:$0x10100] =	vst v63  }
0x1ae: {  	s18 =	simm.s32 $0x900  }
0x1af: {  	[tilespmem:s18], [sflag:$0x1] =	stream.indirect_vreg.gather [hbm4b:s1+s3], $0x80, v3, vm0, $0xb8;
	[tilespmem:$0x10100] =	vst v63  }
0x1b0: {  	v3 =	vld [tilespmem:$0x10];
	_ =	sdelay $0x4  }
0x1b1: {  	v33 =	vshll.u32 v3, $0x1  }
0x1b2: {  	v3 =	vand.u32 $0x7, v3;
	v4 =	vand.u32 $0xFFFFFFF0, v33  }
0x1b3: {  	v3 =	vor.u32 v3, v4  }
0x1b4: {  	v4 =	vperm.xlane v3, v0;
	_ =	sdelay $0x1  }
0x1b5: {  	v3 =	vperm.xlane v3, v2;
	v4 =	vadd.s32 v1, v4;
	_ =	sdelay $0x1  }
0x1b6: {  	v3 =	vadd.s32 v1, v3;
	_ =	sdelay $0x2  }
0x1b7: {  	[tilespmem:s6], [sflag:$0x1] =	stream.indirect_vreg.gather [hbm4b:s1+s3], $0x80, v4, vm0, $0xb8;
	[tilespmem:$0x10100] =	vst v63  }
0x1b8: {  	s25 =	simm.s32 $0x1900  }
0x1b9: {  	[tilespmem:s25], [sflag:$0x1] =	stream.indirect_vreg.gather [hbm4b:s1+s3], $0x80, v3, vm0, $0xb8;
	[tilespmem:$0x10100] =	vst v63  }
0x1ba: {  	v3 =	vld [tilespmem:$0x20];
	_ =	sdelay $0x4  }
0x1bb: {  	v34 =	vshll.u32 v3, $0x1  }
0x1bc: {  	v3 =	vand.u32 $0x7, v3;
	v4 =	vand.u32 $0xFFFFFFF0, v34  }
0x1bd: {  	v3 =	vor.u32 v3, v4  }
0x1be: {  	v4 =	vperm.xlane v3, v0;
	_ =	sdelay $0x1  }
0x1bf: {  	v3 =	vperm.xlane v3, v2;
	v4 =	vadd.s32 v1, v4;
	_ =	sdelay $0x1  }
0x1c0: {  	v3 =	vadd.s32 v1, v3;
	_ =	sdelay $0x2  }
0x1c1: {  	[tilespmem:s7], [sflag:$0x1] =	stream.indirect_vreg.gather [hbm4b:s1+s3], $0x80, v4, vm0, $0xb8;
	[tilespmem:$0x10100] =	vst v63  }
0x1c2: {  	s18 =	simm.s32 $0x2900  }
0x1c3: {  	[tilespmem:s18], [sflag:$0x1] =	stream.indirect_vreg.gather [hbm4b:s1+s3], $0x80, v3, vm0, $0xb8;
	[tilespmem:$0x10100] =	vst v63  }
0x1c4: {  	v3 =	vld [tilespmem:$0x30];
	_ =	sdelay $0x4  }
0x1c5: {  	v35 =	vshll.u32 v3, $0x1  }
0x1c6: {  	v3 =	vand.u32 $0x7, v3;
	v4 =	vand.u32 $0xFFFFFFF0, v35  }
0x1c7: {  	v3 =	vor.u32 v3, v4  }
0x1c8: {  	v4 =	vperm.xlane v3, v0;
	_ =	sdelay $0x1  }
0x1c9: {  	v3 =	vperm.xlane v3, v2;
	v4 =	vadd.s32 v1, v4;
	_ =	sdelay $0x1  }
0x1ca: {  	v3 =	vadd.s32 v1, v3;
	_ =	sdelay $0x2  }
0x1cb: {  	[tilespmem:s8], [sflag:$0x1] =	stream.indirect_vreg.gather [hbm4b:s1+s3], $0x80, v4, vm0, $0xb8;
	[tilespmem:$0x10100] =	vst v63  }
0x1cc: {  	s25 =	simm.s32 $0x3900  }
0x1cd: {  	[tilespmem:s25], [sflag:$0x1] =	stream.indirect_vreg.gather [hbm4b:s1+s3], $0x80, v3, vm0, $0xb8;
	[tilespmem:$0x10100] =	vst v63  }
0x1ce: {  	v3 =	vld [tilespmem:$0x40];
	_ =	sdelay $0x4  }
0x1cf: {  	v36 =	vshll.u32 v3, $0x1  }
0x1d0: {  	v3 =	vand.u32 $0x7, v3;
	v4 =	vand.u32 $0xFFFFFFF0, v36  }
0x1d1: {  	v3 =	vor.u32 v3, v4  }
0x1d2: {  	v4 =	vperm.xlane v3, v0;
	_ =	sdelay $0x1  }
0x1d3: {  	v3 =	vperm.xlane v3, v2;
	v4 =	vadd.s32 v1, v4;
	_ =	sdelay $0x1  }
0x1d4: {  	v3 =	vadd.s32 v1, v3;
	_ =	sdelay $0x2  }
0x1d5: {  	[tilespmem:s9], [sflag:$0x1] =	stream.indirect_vreg.gather [hbm4b:s1+s3], $0x80, v4, vm0, $0xb8;
	[tilespmem:$0x10100] =	vst v63  }
0x1d6: {  	s18 =	simm.s32 $0x4900  }
0x1d7: {  	[tilespmem:s18], [sflag:$0x1] =	stream.indirect_vreg.gather [hbm4b:s1+s3], $0x80, v3, vm0, $0xb8;
	[tilespmem:$0x10100] =	vst v63  }
0x1d8: {  	v3 =	vld [tilespmem:$0x50];
	_ =	sdelay $0x4  }
0x1d9: {  	v37 =	vshll.u32 v3, $0x1  }
0x1da: {  	v3 =	vand.u32 $0x7, v3;
	v4 =	vand.u32 $0xFFFFFFF0, v37  }
0x1db: {  	v3 =	vor.u32 v3, v4  }
0x1dc: {  	v4 =	vperm.xlane v3, v0;
	_ =	sdelay $0x1  }
0x1dd: {  	v3 =	vperm.xlane v3, v2;
	v4 =	vadd.s32 v1, v4;
	_ =	sdelay $0x1  }
0x1de: {  	v3 =	vadd.s32 v1, v3;
	_ =	sdelay $0x1  }
0x1df: {  	s25 =	simm.s32 $0x5100  }
0x1e0: {  	[tilespmem:s25], [sflag:$0x1] =	stream.indirect_vreg.gather [hbm4b:s1+s3], $0x80, v4, vm0, $0xb8;
	[tilespmem:$0x10100] =	vst v63  }
0x1e1: {  	s18 =	simm.s32 $0x5900  }
0x1e2: {  	[tilespmem:s18], [sflag:$0x1] =	stream.indirect_vreg.gather [hbm4b:s1+s3], $0x80, v3, vm0, $0xb8;
	[tilespmem:$0x10100] =	vst v63  }
0x1e3: {  	v3 =	vld [tilespmem:$0x60];
	_ =	sdelay $0x4  }
0x1e4: {  	v38 =	vshll.u32 v3, $0x1  }
0x1e5: {  	v3 =	vand.u32 $0x7, v3;
	v4 =	vand.u32 $0xFFFFFFF0, v38  }
0x1e6: {  	v3 =	vor.u32 v3, v4  }
0x1e7: {  	v4 =	vperm.xlane v3, v0;
	_ =	sdelay $0x1  }
0x1e8: {  	v3 =	vperm.xlane v3, v2;
	v4 =	vadd.s32 v1, v4;
	_ =	sdelay $0x1  }
0x1e9: {  	v3 =	vadd.s32 v1, v3;
	_ =	sdelay $0x2  }
0x1ea: {  	[tilespmem:s10], [sflag:$0x1] =	stream.indirect_vreg.gather [hbm4b:s1+s3], $0x80, v4, vm0, $0xb8;
	[tilespmem:$0x10100] =	vst v63  }
0x1eb: {  	_ = 	snop  }
0x1ec: {  	[tilespmem:s11], [sflag:$0x1] =	stream.indirect_vreg.gather [hbm4b:s1+s3], $0x80, v3, vm0, $0xb8;
	[tilespmem:$0x10100] =	vst v63  }
0x1ed: {  	v3 =	vld [tilespmem:$0x70];
	_ =	sdelay $0x4  }
0x1ee: {  	v39 =	vshll.u32 v3, $0x1  }
0x1ef: {  	v3 =	vand.u32 $0x7, v3;
	v4 =	vand.u32 $0xFFFFFFF0, v39  }
0x1f0: {  	v3 =	vor.u32 v3, v4  }
0x1f1: {  	v4 =	vperm.xlane v3, v0;
	_ =	sdelay $0x1  }
0x1f2: {  	v3 =	vperm.xlane v3, v2;
	v4 =	vadd.s32 v1, v4;
	_ =	sdelay $0x1  }
0x1f3: {  	v3 =	vadd.s32 v1, v3;
	_ =	sdelay $0x2  }
0x1f4: {  	[tilespmem:s12], [sflag:$0x1] =	stream.indirect_vreg.gather [hbm4b:s1+s3], $0x80, v4, vm0, $0xb8;
	[tilespmem:$0x10100] =	vst v63  }
0x1f5: {  	_ = 	snop  }
0x1f6: {  	[tilespmem:s19], [sflag:$0x1] =	stream.indirect_vreg.gather [hbm4b:s1+s3], $0x80, v3, vm0, $0xb8;
	[tilespmem:$0x10100] =	vst v63  }
0x1f7: {  	_ =	swait.ge [sflag:s15], $0x8000  }
0x1f8: {  	[sflag:s15] =	ssyncset.done $0x0  }
0x1f9: {  	s25 =	rddreg [dreg:$0xc];
	[sflag:s15] =	ssyncadd.s32 $0xFFFF8000  }
0x1fa: {  	[hbm4b:s25+s3] =	stream.linear.scatter [tilespmem:s23], [sflag:$0x4], $0x8000, $0x38;
	[tilespmem:$0x10100] =	vst v63  }
0x1fb: {  	s18 =	rddreg [dreg:$0xd];
	s25 =	simm.s32 $0x80  }
0x1fc: {  	[tilespmem:s25], [sflag:$0x5] =	stream.linear.gather [hbm4b:s18+s3], $0x80, $0x38;
	[tilespmem:$0x10100] =	vst v63  }
0x1fd: {  	_ =	swait.ge [sflag:s5], $0x80  }
0x1fe: {  	[sflag:s5] =	ssyncset.done $0x0  }
0x1ff: {  	[sflag:s5] =	ssyncadd.s32 $0xFFFFFF80  }
0x200: {  	_ =	swait.ge [sflag:s16], $0x8000  }
0x201: {  	[sflag:s16] =	ssyncset.done $0x0  }
0x202: {  	[sflag:s16] =	ssyncadd.s32 $0xFFFF8000  }
0x203: {  	v3 =	vld [tilespmem:$0x80];
	_ =	sdelay $0x4  }
0x204: {  	v40 =	vshll.u32 v3, $0x1  }
0x205: {  	v3 =	vand.u32 $0x7, v3;
	v4 =	vand.u32 $0xFFFFFFF0, v40  }
0x206: {  	v3 =	vor.u32 v3, v4  }
0x207: {  	v4 =	vperm.xlane v3, v0;
	_ =	sdelay $0x1  }
0x208: {  	v3 =	vperm.xlane v3, v2;
	v4 =	vadd.s32 v1, v4;
	_ =	sdelay $0x1  }
0x209: {  	v3 =	vadd.s32 v1, v3;
	_ =	sdelay $0x2  }
0x20a: {  	[tilespmem:s23], [sflag:$0x2] =	stream.indirect_vreg.gather [hbm4b:s1+s3], $0x80, v4, vm0, $0xb8;
	[tilespmem:$0x10100] =	vst v63  }
0x20b: {  	_ = 	snop  }
0x20c: {  	[tilespmem:s2], [sflag:$0x2] =	stream.indirect_vreg.gather [hbm4b:s1+s3], $0x80, v3, vm0, $0xb8;
	[tilespmem:$0x10100] =	vst v63  }
0x20d: {  	v3 =	vld [tilespmem:$0x90];
	_ =	sdelay $0x4  }
0x20e: {  	v41 =	vshll.u32 v3, $0x1  }
0x20f: {  	v3 =	vand.u32 $0x7, v3;
	v4 =	vand.u32 $0xFFFFFFF0, v41  }
0x210: {  	v3 =	vor.u32 v3, v4  }
0x211: {  	v4 =	vperm.xlane v3, v0;
	_ =	sdelay $0x1  }
0x212: {  	v3 =	vperm.xlane v3, v2;
	v4 =	vadd.s32 v1, v4;
	_ =	sdelay $0x1  }
0x213: {  	v3 =	vadd.s32 v1, v3;
	_ =	sdelay $0x2  }
0x214: {  	[tilespmem:s0], [sflag:$0x2] =	stream.indirect_vreg.gather [hbm4b:s1+s3], $0x80, v4, vm0, $0xb8;
	[tilespmem:$0x10100] =	vst v63  }
0x215: {  	s31 =	simm.s32 $0x9900  }
0x216: {  	[tilespmem:s31], [sflag:$0x2] =	stream.indirect_vreg.gather [hbm4b:s1+s3], $0x80, v3, vm0, $0xb8;
	[tilespmem:$0x10100] =	vst v63  }
0x217: {  	v3 =	vld [tilespmem:$0xA0];
	_ =	sdelay $0x4  }
0x218: {  	v42 =	vshll.u32 v3, $0x1  }
0x219: {  	v3 =	vand.u32 $0x7, v3;
	v4 =	vand.u32 $0xFFFFFFF0, v42  }
0x21a: {  	v3 =	vor.u32 v3, v4  }
0x21b: {  	v4 =	vperm.xlane v3, v0;
	_ =	sdelay $0x1  }
0x21c: {  	v3 =	vperm.xlane v3, v2;
	v4 =	vadd.s32 v1, v4;
	_ =	sdelay $0x1  }
0x21d: {  	v3 =	vadd.s32 v1, v3;
	_ =	sdelay $0x1  }
0x21e: {  	s28 =	simm.s32 $0xA100  }
0x21f: {  	[tilespmem:s28], [sflag:$0x2] =	stream.indirect_vreg.gather [hbm4b:s1+s3], $0x80, v4, vm0, $0xb8;
	[tilespmem:$0x10100] =	vst v63  }
0x220: {  	s30 =	simm.s32 $0xA900  }
0x221: {  	[tilespmem:s30], [sflag:$0x2] =	stream.indirect_vreg.gather [hbm4b:s1+s3], $0x80, v3, vm0, $0xb8;
	[tilespmem:$0x10100] =	vst v63  }
0x222: {  	v3 =	vld [tilespmem:$0xB0];
	_ =	sdelay $0x4  }
0x223: {  	v43 =	vshll.u32 v3, $0x1  }
0x224: {  	v3 =	vand.u32 $0x7, v3;
	v4 =	vand.u32 $0xFFFFFFF0, v43  }
0x225: {  	v3 =	vor.u32 v3, v4  }
0x226: {  	v4 =	vperm.xlane v3, v0;
	_ =	sdelay $0x1  }
0x227: {  	v3 =	vperm.xlane v3, v2;
	v4 =	vadd.s32 v1, v4;
	_ =	sdelay $0x1  }
0x228: {  	v3 =	vadd.s32 v1, v3;
	_ =	sdelay $0x1  }
0x229: {  	s26 =	simm.s32 $0xB100  }
0x22a: {  	[tilespmem:s26], [sflag:$0x2] =	stream.indirect_vreg.gather [hbm4b:s1+s3], $0x80, v4, vm0, $0xb8;
	[tilespmem:$0x10100] =	vst v63  }
0x22b: {  	s18 =	simm.s32 $0xB900  }
0x22c: {  	[tilespmem:s18], [sflag:$0x2] =	stream.indirect_vreg.gather [hbm4b:s1+s3], $0x80, v3, vm0, $0xb8;
	[tilespmem:$0x10100] =	vst v63  }
0x22d: {  	v3 =	vld [tilespmem:$0xC0];
	_ =	sdelay $0x4  }
0x22e: {  	v44 =	vshll.u32 v3, $0x1  }
0x22f: {  	v3 =	vand.u32 $0x7, v3;
	v4 =	vand.u32 $0xFFFFFFF0, v44  }
0x230: {  	v3 =	vor.u32 v3, v4  }
0x231: {  	v4 =	vperm.xlane v3, v0;
	_ =	sdelay $0x1  }
0x232: {  	v3 =	vperm.xlane v3, v2;
	v4 =	vadd.s32 v1, v4;
	_ =	sdelay $0x1  }
0x233: {  	v3 =	vadd.s32 v1, v3;
	_ =	sdelay $0x1  }
0x234: {  	s20 =	simm.s32 $0xC100  }
0x235: {  	[tilespmem:s20], [sflag:$0x2] =	stream.indirect_vreg.gather [hbm4b:s1+s3], $0x80, v4, vm0, $0xb8;
	[tilespmem:$0x10100] =	vst v63  }
0x236: {  	s20 =	simm.s32 $0xC900  }
0x237: {  	[tilespmem:s20], [sflag:$0x2] =	stream.indirect_vreg.gather [hbm4b:s1+s3], $0x80, v3, vm0, $0xb8;
	[tilespmem:$0x10100] =	vst v63  }
0x238: {  	v3 =	vld [tilespmem:$0xD0];
	_ =	sdelay $0x4  }
0x239: {  	v45 =	vshll.u32 v3, $0x1  }
0x23a: {  	v3 =	vand.u32 $0x7, v3;
	v4 =	vand.u32 $0xFFFFFFF0, v45  }
0x23b: {  	v3 =	vor.u32 v3, v4  }
0x23c: {  	v4 =	vperm.xlane v3, v0;
	_ =	sdelay $0x1  }
0x23d: {  	v3 =	vperm.xlane v3, v2;
	v4 =	vadd.s32 v1, v4;
	_ =	sdelay $0x1  }
0x23e: {  	v3 =	vadd.s32 v1, v3;
	_ =	sdelay $0x1  }
0x23f: {  	s21 =	simm.s32 $0xD100  }
0x240: {  	[tilespmem:s21], [sflag:$0x2] =	stream.indirect_vreg.gather [hbm4b:s1+s3], $0x80, v4, vm0, $0xb8;
	[tilespmem:$0x10100] =	vst v63  }
0x241: {  	s21 =	simm.s32 $0xD900  }
0x242: {  	[tilespmem:s21], [sflag:$0x2] =	stream.indirect_vreg.gather [hbm4b:s1+s3], $0x80, v3, vm0, $0xb8;
	[tilespmem:$0x10100] =	vst v63  }
0x243: {  	v3 =	vld [tilespmem:$0xE0];
	_ =	sdelay $0x4  }
0x244: {  	v46 =	vshll.u32 v3, $0x1  }
0x245: {  	v3 =	vand.u32 $0x7, v3;
	v4 =	vand.u32 $0xFFFFFFF0, v46  }
0x246: {  	v3 =	vor.u32 v3, v4  }
0x247: {  	v4 =	vperm.xlane v3, v0;
	_ =	sdelay $0x1  }
0x248: {  	v3 =	vperm.xlane v3, v2;
	v4 =	vadd.s32 v1, v4;
	_ =	sdelay $0x1  }
0x249: {  	v3 =	vadd.s32 v1, v3;
	_ =	sdelay $0x1  }
0x24a: {  	s22 =	simm.s32 $0xE100  }
0x24b: {  	[tilespmem:s22], [sflag:$0x2] =	stream.indirect_vreg.gather [hbm4b:s1+s3], $0x80, v4, vm0, $0xb8;
	[tilespmem:$0x10100] =	vst v63  }
0x24c: {  	s22 =	simm.s32 $0xE900  }
0x24d: {  	[tilespmem:s22], [sflag:$0x2] =	stream.indirect_vreg.gather [hbm4b:s1+s3], $0x80, v3, vm0, $0xb8;
	[tilespmem:$0x10100] =	vst v63  }
0x24e: {  	v3 =	vld [tilespmem:$0xF0];
	_ =	sdelay $0x4  }
0x24f: {  	v47 =	vshll.u32 v3, $0x1  }
0x250: {  	v3 =	vand.u32 $0x7, v3;
	v4 =	vand.u32 $0xFFFFFFF0, v47  }
0x251: {  	v3 =	vor.u32 v3, v4  }
0x252: {  	v4 =	vperm.xlane v3, v0;
	_ =	sdelay $0x1  }
0x253: {  	v3 =	vperm.xlane v3, v2;
	v4 =	vadd.s32 v1, v4;
	_ =	sdelay $0x1  }
0x254: {  	v3 =	vadd.s32 v1, v3;
	_ =	sdelay $0x1  }
0x255: {  	s24 =	simm.s32 $0xF100  }
0x256: {  	[tilespmem:s24], [sflag:$0x2] =	stream.indirect_vreg.gather [hbm4b:s1+s3], $0x80, v4, vm0, $0xb8;
	[tilespmem:$0x10100] =	vst v63  }
0x257: {  	s24 =	simm.s32 $0xF900  }
0x258: {  	[tilespmem:s24], [sflag:$0x2] =	stream.indirect_vreg.gather [hbm4b:s1+s3], $0x80, v3, vm0, $0xb8;
	[tilespmem:$0x10100] =	vst v63  }
0x259: {  	_ =	swait.ge [sflag:s13], $0x8000  }
0x25a: {  	[sflag:s13] =	ssyncset.done $0x0  }
0x25b: {  	s17 =	rddreg [dreg:$0xe];
	[sflag:s13] =	ssyncadd.s32 $0xFFFF8000  }
0x25c: {  	[hbm4b:s17+s3] =	stream.linear.scatter [tilespmem:s29], [sflag:$0x3], $0x8000, $0x38;
	[tilespmem:$0x10100] =	vst v63  }
0x25d: {  	s18 =	rddreg [dreg:$0xf]  }
0x25e: {  	[tilespmem:s3], [sflag:$0x5] =	stream.linear.gather [hbm4b:s18+s3], $0x80, $0x38;
	[tilespmem:$0x10100] =	vst v63  }
0x25f: {  	_ =	swait.ge [sflag:s5], $0x80  }
0x260: {  	[sflag:s5] =	ssyncset.done $0x0  }
0x261: {  	[sflag:s5] =	ssyncadd.s32 $0xFFFFFF80  }
0x262: {  	_ =	swait.ge [sflag:s14], $0x8000  }
0x263: {  	[sflag:s14] =	ssyncset.done $0x0  }
0x264: {  	[sflag:s14] =	ssyncadd.s32 $0xFFFF8000  }
0x265: {  	v3 =	vld [tilespmem:$0x0];
	_ =	sdelay $0x4  }
0x266: {  	v48 =	vshll.u32 v3, $0x1  }
0x267: {  	v3 =	vand.u32 $0x7, v3;
	v4 =	vand.u32 $0xFFFFFFF0, v48  }
0x268: {  	v3 =	vor.u32 v3, v4  }
0x269: {  	v4 =	vperm.xlane v3, v0;
	_ =	sdelay $0x1  }
0x26a: {  	v3 =	vperm.xlane v3, v2;
	v4 =	vadd.s32 v1, v4;
	_ =	sdelay $0x1  }
0x26b: {  	v3 =	vadd.s32 v1, v3;
	_ =	sdelay $0x2  }
0x26c: {  	[tilespmem:s29], [sflag:$0x1] =	stream.indirect_vreg.gather [hbm4b:s1+s3], $0x80, v4, vm0, $0xb8;
	[tilespmem:$0x10100] =	vst v63  }
0x26d: {  	s18 =	simm.s32 $0x900  }
0x26e: {  	[tilespmem:s18], [sflag:$0x1] =	stream.indirect_vreg.gather [hbm4b:s1+s3], $0x80, v3, vm0, $0xb8;
	[tilespmem:$0x10100] =	vst v63  }
0x26f: {  	v3 =	vld [tilespmem:$0x10];
	_ =	sdelay $0x4  }
0x270: {  	v49 =	vshll.u32 v3, $0x1  }
0x271: {  	v3 =	vand.u32 $0x7, v3;
	v4 =	vand.u32 $0xFFFFFFF0, v49  }
0x272: {  	v3 =	vor.u32 v3, v4  }
0x273: {  	v4 =	vperm.xlane v3, v0;
	_ =	sdelay $0x1  }
0x274: {  	v3 =	vperm.xlane v3, v2;
	v4 =	vadd.s32 v1, v4;
	_ =	sdelay $0x1  }
0x275: {  	v3 =	vadd.s32 v1, v3;
	_ =	sdelay $0x1  }
0x276: {  	s6 =	simm.s32 $0x1100  }
0x277: {  	[tilespmem:s6], [sflag:$0x1] =	stream.indirect_vreg.gather [hbm4b:s1+s3], $0x80, v4, vm0, $0xb8;
	[tilespmem:$0x10100] =	vst v63  }
0x278: {  	s18 =	simm.s32 $0x1900  }
0x279: {  	[tilespmem:s18], [sflag:$0x1] =	stream.indirect_vreg.gather [hbm4b:s1+s3], $0x80, v3, vm0, $0xb8;
	[tilespmem:$0x10100] =	vst v63  }
0x27a: {  	v3 =	vld [tilespmem:$0x20];
	_ =	sdelay $0x4  }
0x27b: {  	v50 =	vshll.u32 v3, $0x1  }
0x27c: {  	v3 =	vand.u32 $0x7, v3;
	v4 =	vand.u32 $0xFFFFFFF0, v50  }
0x27d: {  	v3 =	vor.u32 v3, v4  }
0x27e: {  	v4 =	vperm.xlane v3, v0;
	_ =	sdelay $0x1  }
0x27f: {  	v3 =	vperm.xlane v3, v2;
	v4 =	vadd.s32 v1, v4;
	_ =	sdelay $0x1  }
0x280: {  	v3 =	vadd.s32 v1, v3;
	_ =	sdelay $0x1  }
0x281: {  	s7 =	simm.s32 $0x2100  }
0x282: {  	[tilespmem:s7], [sflag:$0x1] =	stream.indirect_vreg.gather [hbm4b:s1+s3], $0x80, v4, vm0, $0xb8;
	[tilespmem:$0x10100] =	vst v63  }
0x283: {  	s17 =	simm.s32 $0x2900  }
0x284: {  	[tilespmem:s17], [sflag:$0x1] =	stream.indirect_vreg.gather [hbm4b:s1+s3], $0x80, v3, vm0, $0xb8;
	[tilespmem:$0x10100] =	vst v63  }
0x285: {  	v3 =	vld [tilespmem:$0x30];
	_ =	sdelay $0x4  }
0x286: {  	v51 =	vshll.u32 v3, $0x1  }
0x287: {  	v3 =	vand.u32 $0x7, v3;
	v4 =	vand.u32 $0xFFFFFFF0, v51  }
0x288: {  	v3 =	vor.u32 v3, v4  }
0x289: {  	v4 =	vperm.xlane v3, v0;
	_ =	sdelay $0x1  }
0x28a: {  	v3 =	vperm.xlane v3, v2;
	v4 =	vadd.s32 v1, v4;
	_ =	sdelay $0x1  }
0x28b: {  	v3 =	vadd.s32 v1, v3;
	_ =	sdelay $0x1  }
0x28c: {  	s8 =	simm.s32 $0x3100  }
0x28d: {  	[tilespmem:s8], [sflag:$0x1] =	stream.indirect_vreg.gather [hbm4b:s1+s3], $0x80, v4, vm0, $0xb8;
	[tilespmem:$0x10100] =	vst v63  }
0x28e: {  	s18 =	simm.s32 $0x3900  }
0x28f: {  	[tilespmem:s18], [sflag:$0x1] =	stream.indirect_vreg.gather [hbm4b:s1+s3], $0x80, v3, vm0, $0xb8;
	[tilespmem:$0x10100] =	vst v63  }
0x290: {  	v3 =	vld [tilespmem:$0x40];
	_ =	sdelay $0x4  }
0x291: {  	v52 =	vshll.u32 v3, $0x1  }
0x292: {  	v3 =	vand.u32 $0x7, v3;
	v4 =	vand.u32 $0xFFFFFFF0, v52  }
0x293: {  	v3 =	vor.u32 v3, v4  }
0x294: {  	v4 =	vperm.xlane v3, v0;
	_ =	sdelay $0x1  }
0x295: {  	v3 =	vperm.xlane v3, v2;
	v4 =	vadd.s32 v1, v4;
	_ =	sdelay $0x1  }
0x296: {  	v3 =	vadd.s32 v1, v3;
	_ =	sdelay $0x1  }
0x297: {  	s9 =	simm.s32 $0x4100  }
0x298: {  	[tilespmem:s9], [sflag:$0x1] =	stream.indirect_vreg.gather [hbm4b:s1+s3], $0x80, v4, vm0, $0xb8;
	[tilespmem:$0x10100] =	vst v63  }
0x299: {  	s7 =	simm.s32 $0x4900  }
0x29a: {  	[tilespmem:s7], [sflag:$0x1] =	stream.indirect_vreg.gather [hbm4b:s1+s3], $0x80, v3, vm0, $0xb8;
	[tilespmem:$0x10100] =	vst v63  }
0x29b: {  	v3 =	vld [tilespmem:$0x50];
	_ =	sdelay $0x4  }
0x29c: {  	v53 =	vshll.u32 v3, $0x1  }
0x29d: {  	v3 =	vand.u32 $0x7, v3;
	v4 =	vand.u32 $0xFFFFFFF0, v53  }
0x29e: {  	v3 =	vor.u32 v3, v4  }
0x29f: {  	v4 =	vperm.xlane v3, v0;
	_ =	sdelay $0x1  }
0x2a0: {  	v3 =	vperm.xlane v3, v2;
	v4 =	vadd.s32 v1, v4;
	_ =	sdelay $0x1  }
0x2a1: {  	v3 =	vadd.s32 v1, v3;
	_ =	sdelay $0x1  }
0x2a2: {  	s8 =	simm.s32 $0x5100  }
0x2a3: {  	[tilespmem:s8], [sflag:$0x1] =	stream.indirect_vreg.gather [hbm4b:s1+s3], $0x80, v4, vm0, $0xb8;
	[tilespmem:$0x10100] =	vst v63  }
0x2a4: {  	s9 =	simm.s32 $0x5900  }
0x2a5: {  	[tilespmem:s9], [sflag:$0x1] =	stream.indirect_vreg.gather [hbm4b:s1+s3], $0x80, v3, vm0, $0xb8;
	[tilespmem:$0x10100] =	vst v63  }
0x2a6: {  	v3 =	vld [tilespmem:$0x60];
	_ =	sdelay $0x4  }
0x2a7: {  	v54 =	vshll.u32 v3, $0x1  }
0x2a8: {  	v3 =	vand.u32 $0x7, v3;
	v4 =	vand.u32 $0xFFFFFFF0, v54  }
0x2a9: {  	v3 =	vor.u32 v3, v4  }
0x2aa: {  	v4 =	vperm.xlane v3, v0;
	_ =	sdelay $0x1  }
0x2ab: {  	v3 =	vperm.xlane v3, v2;
	v4 =	vadd.s32 v1, v4;
	_ =	sdelay $0x1  }
0x2ac: {  	v3 =	vadd.s32 v1, v3;
	_ =	sdelay $0x1  }
0x2ad: {  	s10 =	simm.s32 $0x6100  }
0x2ae: {  	[tilespmem:s10], [sflag:$0x1] =	stream.indirect_vreg.gather [hbm4b:s1+s3], $0x80, v4, vm0, $0xb8;
	[tilespmem:$0x10100] =	vst v63  }
0x2af: {  	s11 =	simm.s32 $0x6900  }
0x2b0: {  	[tilespmem:s11], [sflag:$0x1] =	stream.indirect_vreg.gather [hbm4b:s1+s3], $0x80, v3, vm0, $0xb8;
	[tilespmem:$0x10100] =	vst v63  }
0x2b1: {  	v3 =	vld [tilespmem:$0x70];
	_ =	sdelay $0x4  }
0x2b2: {  	v55 =	vshll.u32 v3, $0x1  }
0x2b3: {  	v3 =	vand.u32 $0x7, v3;
	v4 =	vand.u32 $0xFFFFFFF0, v55  }
0x2b4: {  	v3 =	vor.u32 v3, v4  }
0x2b5: {  	v4 =	vperm.xlane v3, v0;
	_ =	sdelay $0x1  }
0x2b6: {  	v3 =	vperm.xlane v3, v2;
	v4 =	vadd.s32 v1, v4;
	_ =	sdelay $0x1  }
0x2b7: {  	v3 =	vadd.s32 v1, v3;
	_ =	sdelay $0x1  }
0x2b8: {  	s12 =	simm.s32 $0x7100  }
0x2b9: {  	[tilespmem:s12], [sflag:$0x1] =	stream.indirect_vreg.gather [hbm4b:s1+s3], $0x80, v4, vm0, $0xb8;
	[tilespmem:$0x10100] =	vst v63  }
0x2ba: {  	s19 =	simm.s32 $0x7900  }
0x2bb: {  	[tilespmem:s19], [sflag:$0x1] =	stream.indirect_vreg.gather [hbm4b:s1+s3], $0x80, v3, vm0, $0xb8;
	[tilespmem:$0x10100] =	vst v63  }
0x2bc: {  	_ =	swait.ge [sflag:s15], $0x8000  }
0x2bd: {  	[sflag:s15] =	ssyncset.done $0x0  }
0x2be: {  	s11 =	rddreg [dreg:$0x10];
	[sflag:s15] =	ssyncadd.s32 $0xFFFF8000  }
0x2bf: {  	[hbm4b:s11+s3] =	stream.linear.scatter [tilespmem:s23], [sflag:$0x4], $0x8000, $0x38;
	[tilespmem:$0x10100] =	vst v63  }
0x2c0: {  	s17 =	simm.s32 $0x80;
	s12 =	rddreg [dreg:$0x11]  }
0x2c1: {  	[tilespmem:s17], [sflag:$0x5] =	stream.linear.gather [hbm4b:s12+s3], $0x80, $0x38;
	[tilespmem:$0x10100] =	vst v63  }
0x2c2: {  	_ =	swait.ge [sflag:s5], $0x80  }
0x2c3: {  	[sflag:s5] =	ssyncset.done $0x0  }
0x2c4: {  	[sflag:s5] =	ssyncadd.s32 $0xFFFFFF80  }
0x2c5: {  	_ =	swait.ge [sflag:s16], $0x8000  }
0x2c6: {  	[sflag:s16] =	ssyncset.done $0x0  }
0x2c7: {  	[sflag:s16] =	ssyncadd.s32 $0xFFFF8000  }
0x2c8: {  	v3 =	vld [tilespmem:$0x80];
	_ =	sdelay $0x4  }
0x2c9: {  	v56 =	vshll.u32 v3, $0x1  }
0x2ca: {  	v3 =	vand.u32 $0x7, v3;
	v4 =	vand.u32 $0xFFFFFFF0, v56  }
0x2cb: {  	v3 =	vor.u32 v3, v4  }
0x2cc: {  	v4 =	vperm.xlane v3, v0;
	_ =	sdelay $0x1  }
0x2cd: {  	v3 =	vperm.xlane v3, v2;
	v4 =	vadd.s32 v1, v4;
	_ =	sdelay $0x1  }
0x2ce: {  	v3 =	vadd.s32 v1, v3;
	_ =	sdelay $0x2  }
0x2cf: {  	[tilespmem:s23], [sflag:$0x2] =	stream.indirect_vreg.gather [hbm4b:s1+s3], $0x80, v4, vm0, $0xb8;
	[tilespmem:$0x10100] =	vst v63  }
0x2d0: {  	s2 =	simm.s32 $0x8900  }
0x2d1: {  	[tilespmem:s2], [sflag:$0x2] =	stream.indirect_vreg.gather [hbm4b:s1+s3], $0x80, v3, vm0, $0xb8;
	[tilespmem:$0x10100] =	vst v63  }
0x2d2: {  	v3 =	vld [tilespmem:$0x90];
	_ =	sdelay $0x4  }
0x2d3: {  	v57 =	vshll.u32 v3, $0x1  }
0x2d4: {  	v3 =	vand.u32 $0x7, v3;
	v4 =	vand.u32 $0xFFFFFFF0, v57  }
0x2d5: {  	v3 =	vor.u32 v3, v4  }
0x2d6: {  	v4 =	vperm.xlane v3, v0;
	_ =	sdelay $0x1  }
0x2d7: {  	v3 =	vperm.xlane v3, v2;
	v4 =	vadd.s32 v1, v4;
	_ =	sdelay $0x1  }
0x2d8: {  	v3 =	vadd.s32 v1, v3;
	_ =	sdelay $0x1  }
0x2d9: {  	s0 =	simm.s32 $0x9100  }
0x2da: {  	[tilespmem:s0], [sflag:$0x2] =	stream.indirect_vreg.gather [hbm4b:s1+s3], $0x80, v4, vm0, $0xb8;
	[tilespmem:$0x10100] =	vst v63  }
0x2db: {  	s19 =	simm.s32 $0x9900  }
0x2dc: {  	[tilespmem:s19], [sflag:$0x2] =	stream.indirect_vreg.gather [hbm4b:s1+s3], $0x80, v3, vm0, $0xb8;
	[tilespmem:$0x10100] =	vst v63  }
0x2dd: {  	v3 =	vld [tilespmem:$0xA0];
	_ =	sdelay $0x4  }
0x2de: {  	v58 =	vshll.u32 v3, $0x1  }
0x2df: {  	v3 =	vand.u32 $0x7, v3;
	v4 =	vand.u32 $0xFFFFFFF0, v58  }
0x2e0: {  	v3 =	vor.u32 v3, v4  }
0x2e1: {  	v4 =	vperm.xlane v3, v0;
	_ =	sdelay $0x1  }
0x2e2: {  	v3 =	vperm.xlane v3, v2;
	v4 =	vadd.s32 v1, v4;
	_ =	sdelay $0x1  }
0x2e3: {  	v3 =	vadd.s32 v1, v3;
	_ =	sdelay $0x1  }
0x2e4: {  	s25 =	simm.s32 $0xA100  }
0x2e5: {  	[tilespmem:s25], [sflag:$0x2] =	stream.indirect_vreg.gather [hbm4b:s1+s3], $0x80, v4, vm0, $0xb8;
	[tilespmem:$0x10100] =	vst v63  }
0x2e6: {  	s31 =	simm.s32 $0xA900  }
0x2e7: {  	[tilespmem:s31], [sflag:$0x2] =	stream.indirect_vreg.gather [hbm4b:s1+s3], $0x80, v3, vm0, $0xb8;
	[tilespmem:$0x10100] =	vst v63  }
0x2e8: {  	v3 =	vld [tilespmem:$0xB0];
	_ =	sdelay $0x4  }
0x2e9: {  	v59 =	vshll.u32 v3, $0x1  }
0x2ea: {  	v3 =	vand.u32 $0x7, v3;
	v4 =	vand.u32 $0xFFFFFFF0, v59  }
0x2eb: {  	v3 =	vor.u32 v3, v4  }
0x2ec: {  	v4 =	vperm.xlane v3, v0;
	_ =	sdelay $0x1  }
0x2ed: {  	v3 =	vperm.xlane v3, v2;
	v4 =	vadd.s32 v1, v4;
	_ =	sdelay $0x1  }
0x2ee: {  	v3 =	vadd.s32 v1, v3;
	_ =	sdelay $0x1  }
0x2ef: {  	s28 =	simm.s32 $0xB100  }
0x2f0: {  	[tilespmem:s28], [sflag:$0x2] =	stream.indirect_vreg.gather [hbm4b:s1+s3], $0x80, v4, vm0, $0xb8;
	[tilespmem:$0x10100] =	vst v63  }
0x2f1: {  	s30 =	simm.s32 $0xB900  }
0x2f2: {  	[tilespmem:s30], [sflag:$0x2] =	stream.indirect_vreg.gather [hbm4b:s1+s3], $0x80, v3, vm0, $0xb8;
	[tilespmem:$0x10100] =	vst v63  }
0x2f3: {  	v3 =	vld [tilespmem:$0xC0];
	_ =	sdelay $0x4  }
0x2f4: {  	v60 =	vshll.u32 v3, $0x1  }
0x2f5: {  	v3 =	vand.u32 $0x7, v3;
	v4 =	vand.u32 $0xFFFFFFF0, v60  }
0x2f6: {  	v3 =	vor.u32 v3, v4  }
0x2f7: {  	v4 =	vperm.xlane v3, v0;
	_ =	sdelay $0x1  }
0x2f8: {  	v3 =	vperm.xlane v3, v2;
	v4 =	vadd.s32 v1, v4;
	_ =	sdelay $0x1  }
0x2f9: {  	v3 =	vadd.s32 v1, v3;
	_ =	sdelay $0x1  }
0x2fa: {  	s26 =	simm.s32 $0xC100  }
0x2fb: {  	[tilespmem:s26], [sflag:$0x2] =	stream.indirect_vreg.gather [hbm4b:s1+s3], $0x80, v4, vm0, $0xb8;
	[tilespmem:$0x10100] =	vst v63  }
0x2fc: {  	s25 =	simm.s32 $0xC900  }
0x2fd: {  	[tilespmem:s25], [sflag:$0x2] =	stream.indirect_vreg.gather [hbm4b:s1+s3], $0x80, v3, vm0, $0xb8;
	[tilespmem:$0x10100] =	vst v63  }
0x2fe: {  	v3 =	vld [tilespmem:$0xD0];
	_ =	sdelay $0x4  }
0x2ff: {  	v61 =	vshll.u32 v3, $0x1  }
0x300: {  	v3 =	vand.u32 $0x7, v3;
	v4 =	vand.u32 $0xFFFFFFF0, v61  }
0x301: {  	v3 =	vor.u32 v3, v4  }
0x302: {  	v4 =	vperm.xlane v3, v0;
	_ =	sdelay $0x1  }
0x303: {  	v3 =	vperm.xlane v3, v2;
	v4 =	vadd.s32 v1, v4;
	_ =	sdelay $0x1  }
0x304: {  	v3 =	vadd.s32 v1, v3;
	_ =	sdelay $0x1  }
0x305: {  	s20 =	simm.s32 $0xD100  }
0x306: {  	[tilespmem:s20], [sflag:$0x2] =	stream.indirect_vreg.gather [hbm4b:s1+s3], $0x80, v4, vm0, $0xb8;
	[tilespmem:$0x10100] =	vst v63  }
0x307: {  	s26 =	simm.s32 $0xD900  }
0x308: {  	[tilespmem:s26], [sflag:$0x2] =	stream.indirect_vreg.gather [hbm4b:s1+s3], $0x80, v3, vm0, $0xb8;
	[tilespmem:$0x10100] =	vst v63  }
0x309: {  	v3 =	vld [tilespmem:$0xE0];
	_ =	sdelay $0x4  }
0x30a: {  	v62 =	vshll.u32 v3, $0x1  }
0x30b: {  	v3 =	vand.u32 $0x7, v3;
	v4 =	vand.u32 $0xFFFFFFF0, v62  }
0x30c: {  	v3 =	vor.u32 v3, v4  }
0x30d: {  	v4 =	vperm.xlane v3, v0;
	_ =	sdelay $0x1  }
0x30e: {  	v3 =	vperm.xlane v3, v2;
	v4 =	vadd.s32 v1, v4;
	_ =	sdelay $0x1  }
0x30f: {  	v3 =	vadd.s32 v1, v3;
	_ =	sdelay $0x1  }
0x310: {  	s21 =	simm.s32 $0xE100  }
0x311: {  	[tilespmem:s21], [sflag:$0x2] =	stream.indirect_vreg.gather [hbm4b:s1+s3], $0x80, v4, vm0, $0xb8;
	[tilespmem:$0x10100] =	vst v63  }
0x312: {  	s28 =	simm.s32 $0xE900  }
0x313: {  	[tilespmem:s28], [sflag:$0x2] =	stream.indirect_vreg.gather [hbm4b:s1+s3], $0x80, v3, vm0, $0xb8;
	[tilespmem:$0x10100] =	vst v63  }
0x314: {  	v3 =	vld [tilespmem:$0xF0];
	_ =	sdelay $0x4  }
0x315: {  	v63 =	vshll.u32 v3, $0x1  }
0x316: {  	v3 =	vand.u32 $0x7, v3;
	v4 =	vand.u32 $0xFFFFFFF0, v63  }
0x317: {  	v3 =	vor.u32 v3, v4  }
0x318: {  	v4 =	vperm.xlane v3, v0;
	_ =	sdelay $0x1  }
0x319: {  	v3 =	vperm.xlane v3, v2;
	v4 =	vadd.s32 v1, v4;
	_ =	sdelay $0x1  }
0x31a: {  	v3 =	vadd.s32 v1, v3;
	_ =	sdelay $0x1  }
0x31b: {  	s22 =	simm.s32 $0xF100  }
0x31c: {  	[tilespmem:s22], [sflag:$0x2] =	stream.indirect_vreg.gather [hbm4b:s1+s3], $0x80, v4, vm0, $0xb8;
	[tilespmem:$0x10100] =	vst v63  }
0x31d: {  	s24 =	simm.s32 $0xF900  }
0x31e: {  	[tilespmem:s24], [sflag:$0x2] =	stream.indirect_vreg.gather [hbm4b:s1+s3], $0x80, v3, vm0, $0xb8;
	[tilespmem:$0x10100] =	vst v63  }
0x31f: {  	_ =	swait.ge [sflag:s13], $0x8000  }
0x320: {  	[sflag:s13] =	ssyncset.done $0x0  }
0x321: {  	s30 =	rddreg [dreg:$0x12];
	[sflag:s13] =	ssyncadd.s32 $0xFFFF8000  }
0x322: {  	[hbm4b:s30+s3] =	stream.linear.scatter [tilespmem:s29], [sflag:$0x3], $0x8000, $0x38;
	[tilespmem:$0x10100] =	vst v63  }
0x323: {  	_ =	swait.ge [sflag:s15], $0x8000  }
0x324: {  	[sflag:s15] =	ssyncset.done $0x0  }
0x325: {  	s31 =	rddreg [dreg:$0x13];
	[sflag:s15] =	ssyncadd.s32 $0xFFFF8000  }
0x326: {  	[hbm4b:s31+s3] =	stream.linear.scatter [tilespmem:s23], [sflag:$0x4], $0x8000, $0x38;
	[tilespmem:$0x10100] =	vst v63  }
0x327: {  	p0 =	sne.s32 s4, $0x1;
	_ =	swait.ge [sflag:s16], $0x8000  }
.Ltmp0:
0x328: {  	[sflag:s16] =	ssyncset.done $0x0;
	(pc) =	sbr.rel @p0 .LBB2_1-.Ltmp0, $4  }
0x329: {  	[sflag:s16] =	ssyncadd.s32 $0xFFFF8000  }
0x32a: {  	_ =	swait.ge [sflag:s14], $0x8000  }
0x32b: {  	[sflag:s14] =	ssyncset.done $0x0  }
0x32c: {  	s4 =	sadd.s32 $0xFFFFFFFF, s4;
	[sflag:s14] =	ssyncadd.s32 $0xFFFF8000  }
0x32d: {  	_ =	sfence.sel $0x180000  }
0x32e: {  	[bflag:$0x0] =	sbarrier.arrive $0xFFFF  }
0x32f: {  	_ =	strace $0x90000047  }
0x330: {  	s0 =	stileid.u32;
	[bflag:$0x2] =	sbarrier.arrive $0xFFFF  }
0x331: {  	p0 =	sne.s32 s0, $0x0;
	s0 =	rddreg [dreg:$0x3]  }
0x332: {  	s0 =	sadd.s32 @!p0 $0x100000, s0  }
0x333: {  	[sflag:s0] =	ssyncadd.tile.s32 @!p0 $0x1;
	_ =	shalt  }
.Lfunc_end2:
_tile_overlayer_lowered:
.L_overlay_start_2:
0x334: {  	(tag) =	ssettag $0x2  }
0x335: {  	s0 =	rddreg [dreg:$0x0];
	s2 =	stileid.u32  }
0x336: {  	s1 =	rddreg [dreg:$0x1];
	p0 =	sne.s32 s2, $0x0  }
0x337: {  	s3 =	rddreg [dreg:$0x2];
	[bflag:$0x3] =	sbarrier.arrive $0xFFFF;
	s2 =	simm.s32 @!p0 $0x1C05  }
0x338: {  	[timem:s3], [sflag:s2] =	dma.local @!p0 [hbm:s0], s1  }
0x339: {  	s0 =	simm.s32 @!p0 $0x5  }
0x33a: {  	_ =	swait.ge @!p0 [sflag:s0], s1  }
0x33b: {  	s1 =	ssub.s32 @!p0 $0x0, s1;
	[sflag:s0] =	ssyncset.done @!p0 $0x0  }
0x33c: {  	[sflag:s0] =	ssyncadd.s32 @!p0 s1  }
0x33d: {  	[bflag:$0x3] =	sbarrier.arrive $0xFFFF  }
0x33e: {  	_ =	shalt  }

</sc_bundles>
